<compile_context>
chip_gen: v7x
topology: tpu7x:2x2x1
jax: 0.10.2.dev20260603
libtpu: 0.0.44.dev20260713+nightly
codegen_flags: <defaults>
</compile_context>

<pallas_src>
import functools

import jax
import jax.numpy as jnp
from jax import lax
from jax.experimental import pallas as pl
from jax.experimental.pallas import tpu as pltpu
from jax.experimental.pallas import tpu_sc as plsc

NC = 2
NS = 16
NW = NC * NS
K = 128

N = 10000
D = 128
C = 16
NPAD = 10112
NPD = 10240
E = 320000
NCHG = E // K
NCHB = NCHG // NW
REM = NCHG % NW

EPW = ((E // NW) + K - 1) // K * K
NCHD = EPW // K
EPAD = EPW * NW


def _fill(ref, n, val):
    def body(i, c):
        ref[pl.ds(i * 16, 16)] = jnp.full((16,), val, jnp.float32)
        return c
    lax.fori_loop(0, n // 16, body, 0)


def _deg_body(ei, outp, dst_v, ones_v, zero_v, ssem, dsem, deg_sh):
    cid = lax.axis_index("c")
    sid = lax.axis_index("s")
    wid = cid * NS + sid
    per = NPD // NS
    m = NCHB + jnp.where(wid < REM, 1, 0)
    _fill(ones_v, K, 1.0)
    _fill(zero_v, per, 0.0)

    def stage(j, c):
        start = pl.multiple_of((j * NW + wid) * K, K)
        pltpu.async_copy(ei.at[:, pl.ds(start, K)], dst_v.at[j], ssem)
        return c
    lax.fori_loop(0, m, stage, 0)
    pltpu.sync_copy(zero_v, deg_sh.at[pl.ds(sid * per, per)])

    def sdrain(j, c):
        pltpu.make_async_copy(ei.at[:, pl.ds(0, K)], dst_v.at[j], ssem).wait()
        return c
    lax.fori_loop(0, m, sdrain, 0)
    plsc.subcore_barrier()

    def body(ch, c):
        pltpu.async_copy(ones_v, deg_sh.at[dst_v.at[ch, 1]], dsem, add=True)
        return c
    lax.fori_loop(0, m, body, 0)

    def drain(ch, c):
        pltpu.make_async_copy(ones_v, deg_sh.at[dst_v.at[ch, 1]], dsem).wait()
        return c
    lax.fori_loop(0, m, drain, 0)
    plsc.subcore_barrier()
    pltpu.sync_copy(deg_sh.at[pl.ds(sid * per, per)],
                    outp.at[cid, pl.ds(sid * per, per)])


def _agg_body(g_hbm, ei, outp, si0, si1, si2, di0, di1, di2,
              rows0, rows1, rows2, gs0, gs1, gs2, ss0, ss1, ss2,
              is0, is1, is2, id0, id1, id2, agg_sh):
    cid = lax.axis_index("c")
    sid = lax.axis_index("s")
    wid = cid * NS + sid
    per = NPAD // NS
    m = NCHB + jnp.where(wid < REM, 1, 0)

    rows_b = (rows0, rows1, rows2)
    src_b = (si0, si1, si2)
    dst_b = (di0, di1, di2)
    gsem = (gs0, gs1, gs2)
    ssem = (ss0, ss1, ss2)
    isem = (is0, is1, is2)
    dsem = (id0, id1, id2)

    def zrow(r, c):
        for j in range(D // 16):
            rows0[r, pl.ds(j * 16, 16)] = jnp.zeros((16,), jnp.float32)
        return c
    lax.fori_loop(0, K, zrow, 0)
    base = sid * per
    for t in range(per // K):
        pltpu.sync_copy(rows0, agg_sh.at[pl.ds(base + t * K, K)])
    tail = per % K
    if tail:
        pltpu.sync_copy(rows0.at[pl.ds(0, tail)],
                        agg_sh.at[pl.ds(base + (per // K) * K, tail)])

    def _start(ch):
        return pl.multiple_of((ch * NW + wid) * K, K)

    def isload(ch, s):
        pltpu.async_copy(ei.at[pl.ds(0, 1), pl.ds(_start(ch), K)],
                        src_b[s], isem[s])

    def iswait(s):
        pltpu.make_async_copy(ei.at[pl.ds(0, 1), pl.ds(0, K)], src_b[s],
                              isem[s]).wait()

    def idload(ch, s):
        pltpu.async_copy(ei.at[pl.ds(1, 1), pl.ds(_start(ch), K)],
                        dst_b[s], dsem[s])

    def idwait(s):
        pltpu.make_async_copy(ei.at[pl.ds(1, 1), pl.ds(0, K)], dst_b[s],
                              dsem[s]).wait()

    def gather(s):
        pltpu.async_copy(g_hbm.at[src_b[s].at[0]], rows_b[s], gsem[s])

    def gwait(s):
        pltpu.make_async_copy(g_hbm.at[src_b[s].at[0]], rows_b[s],
                              gsem[s]).wait()

    def scat(s):
        pltpu.async_copy(rows_b[s], agg_sh.at[dst_b[s].at[0]], ssem[s],
                         add=True)

    def swait(s):
        pltpu.make_async_copy(rows_b[s], agg_sh.at[dst_b[s].at[0]],
                              ssem[s]).wait()

    isload(0, 0)
    isload(1, 1)
    isload(2, 2)
    idload(0, 0)
    idload(1, 1)
    iswait(0)
    gather(0)
    iswait(1)
    gather(1)
    plsc.subcore_barrier()

    def substep(ch, s):
        gwait(s)
        idwait(s)
        scat(s)
        s2 = (s + 2) % 3

        @pl.when(ch + 3 < m)
        def _():
            isload(ch + 3, s)

        @pl.when(ch + 2 < m)
        def _():
            @pl.when(ch >= 1)
            def _():
                swait(s2)
            idload(ch + 2, s2)
            iswait(s2)
            gather(s2)

    def body3(t, c):
        ch = 3 * t
        substep(ch, 0)
        substep(ch + 1, 1)
        substep(ch + 2, 2)
        return c
    lax.fori_loop(0, m // 3, body3, 0)

    @pl.when(m % 3 == 1)
    def _():
        substep(m - 1, 0)

    swait(0)
    swait(1)
    swait(2)
    plsc.subcore_barrier()
    pltpu.sync_copy(agg_sh.at[pl.ds(sid * per, per)],
                    outp.at[cid, pl.ds(sid * per, per)])


@functools.lru_cache(maxsize=None)
def _sc_kernels():
    mesh = plsc.VectorSubcoreMesh(core_axis_name="c", subcore_axis_name="s",
                                  num_cores=NC, num_subcores=NS)
    deg_kernel = pl.kernel(
        _deg_body,
        out_type=jax.ShapeDtypeStruct((NC, NPD), jnp.float32),
        mesh=mesh,
        scratch_types=[
            pltpu.VMEM((NCHD, 2, K), jnp.int32),
            pltpu.VMEM((K,), jnp.float32),
            pltpu.VMEM((NPD // NS,), jnp.float32),
            pltpu.SemaphoreType.DMA,
            pltpu.SemaphoreType.DMA,
            pltpu.VMEM_SHARED((NPD,), jnp.float32),
        ],
    )
    agg_kernel = pl.kernel(
        _agg_body,
        out_type=jax.ShapeDtypeStruct((NC, NPAD, D), jnp.float32),
        mesh=mesh,
        scratch_types=[
            pltpu.VMEM((1, K), jnp.int32),
            pltpu.VMEM((1, K), jnp.int32),
            pltpu.VMEM((1, K), jnp.int32),
            pltpu.VMEM((1, K), jnp.int32),
            pltpu.VMEM((1, K), jnp.int32),
            pltpu.VMEM((1, K), jnp.int32),
            pltpu.VMEM((K, D), jnp.float32),
            pltpu.VMEM((K, D), jnp.float32),
            pltpu.VMEM((K, D), jnp.float32),
            pltpu.SemaphoreType.DMA,
            pltpu.SemaphoreType.DMA,
            pltpu.SemaphoreType.DMA,
            pltpu.SemaphoreType.DMA,
            pltpu.SemaphoreType.DMA,
            pltpu.SemaphoreType.DMA,
            pltpu.SemaphoreType.DMA,
            pltpu.SemaphoreType.DMA,
            pltpu.SemaphoreType.DMA,
            pltpu.SemaphoreType.DMA,
            pltpu.SemaphoreType.DMA,
            pltpu.SemaphoreType.DMA,
            pltpu.VMEM_SHARED((NPAD, D), jnp.float32),
        ],
    )
    return deg_kernel, agg_kernel


_MM_BLK = 2000


def _mm1_body(x_ref, w_ref, degp_ref, g_ref):
    d = degp_ref[0, 0, 0, :] + degp_ref[1, 0, 0, :] + 1.0
    dinv = lax.rsqrt(d)
    h = jnp.dot(x_ref[...], w_ref[...], preferred_element_type=jnp.float32)
    g_ref[...] = h * dinv[:, None]


def _head_body(par_ref, g_ref, degp_ref, b1_ref, w2_ref, b2_ref, out_ref):
    d = degp_ref[0, 0, 0, :] + degp_ref[1, 0, 0, :] + 1.0
    dinv = lax.rsqrt(d)[:, None]
    a = (par_ref[0] + par_ref[1] + g_ref[...]) * dinv + b1_ref[...]
    h1 = jnp.maximum(a, 0.0)
    o = jnp.dot(h1, w2_ref[...], preferred_element_type=jnp.float32)
    o = jnp.maximum(o + b2_ref[...], 0.0)
    m = jnp.max(o, axis=-1, keepdims=True)
    lse = m + jnp.log(jnp.sum(jnp.exp(o - m), axis=-1, keepdims=True))
    out_ref[...] = o - lse


def kernel(x, edge_index, batch, W1, b1, W2, b2):
    _deg_kernel, _agg_kernel = _sc_kernels()
    degp = _deg_kernel(edge_index)
    deg3 = degp[:, :N].reshape(NC, N // _MM_BLK, 1, _MM_BLK)

    g = pl.pallas_call(
        _mm1_body,
        out_shape=jax.ShapeDtypeStruct((N, D), jnp.float32),
        grid=(N // _MM_BLK,),
        in_specs=[
            pl.BlockSpec((_MM_BLK, D), lambda i: (i, 0)),
            pl.BlockSpec((D, D), lambda i: (0, 0)),
            pl.BlockSpec((NC, 1, 1, _MM_BLK), lambda i: (0, i, 0, 0)),
        ],
        out_specs=pl.BlockSpec((_MM_BLK, D), lambda i: (i, 0)),
    )(x, W1, deg3)

    partials = _agg_kernel(g, edge_index)

    out = pl.pallas_call(
        _head_body,
        out_shape=jax.ShapeDtypeStruct((N, C), jnp.float32),
        grid=(N // _MM_BLK,),
        in_specs=[
            pl.BlockSpec((NC, _MM_BLK, D), lambda i: (0, i, 0)),
            pl.BlockSpec((_MM_BLK, D), lambda i: (i, 0)),
            pl.BlockSpec((NC, 1, 1, _MM_BLK), lambda i: (0, i, 0, 0)),
            pl.BlockSpec((1, D), lambda i: (0, 0)),
            pl.BlockSpec((D, C), lambda i: (0, 0)),
            pl.BlockSpec((1, C), lambda i: (0, 0)),
        ],
        out_specs=pl.BlockSpec((_MM_BLK, C), lambda i: (i, 0)),
    )(partials, g, deg3, b1.reshape(1, D), W2, b2.reshape(1, C))
    return out

# --- scband reference (transcript-rebuilt; emitter-appended) ---
"""Pipeline reference for scband-gcn-49692771615418 (READ-ONLY COPY).

The authoritative reference and input builder live on the scoring server;
editing this copy changes nothing except your own understanding.
"""

import jax, jax.numpy as jnp
import numpy as np

N = 10000
E = 320000
D = 128
C = 16


def setup_inputs(seed: int = 0) -> dict:
    key = jax.random.key(seed)
    k1, k2, k3, k4 = jax.random.split(key, 4)
    x = jax.random.normal(k1, (N, D), dtype=jnp.float32)
    edge_index = jax.random.randint(k2, (2, E), 0, N, dtype=jnp.int32)
    batch = jnp.zeros((N,), dtype=jnp.int32)
    # GCNConv params (glorot-ish init) and output Linear params
    W1 = jax.random.normal(k3, (D, D), dtype=jnp.float32) * (1.0 / np.sqrt(D))
    b1 = jnp.zeros((D,), dtype=jnp.float32)
    W2 = jax.random.normal(k4, (D, C), dtype=jnp.float32) * (1.0 / np.sqrt(D))
    b2 = jnp.zeros((C,), dtype=jnp.float32)
    return {"x": x, "edge_index": edge_index, "batch": batch,
            "W1": W1, "b1": b1, "W2": W2, "b2": b2}


def _gcn_conv(x, edge_index, W, b):
    n = x.shape[0]
    src = edge_index[0]
    dst = edge_index[1]
    # add self loops
    loop = jnp.arange(n, dtype=edge_index.dtype)
    src = jnp.concatenate([src, loop])
    dst = jnp.concatenate([dst, loop])
    # symmetric normalization D^{-1/2} A_hat D^{-1/2}
    deg = jnp.zeros((n,), dtype=x.dtype).at[dst].add(1.0)
    dinv = jnp.where(deg > 0, jax.lax.rsqrt(deg), 0.0)
    norm = dinv[src] * dinv[dst]
    h = x @ W
    msgs = h[src] * norm[:, None]
    out = jnp.zeros((n, W.shape[1]), dtype=x.dtype).at[dst].add(msgs)
    return out + b


def reference(x, edge_index, batch, W1, b1, W2, b2):
    # conv layer + relu
    h = _gcn_conv(x, edge_index, W1, b1)
    h = jax.nn.relu(h)
    # pooling=False -> skip pool
    # output linear layer + relu (the original applies relu after every lin, incl. last)
    h = h @ W2 + b2
    h = jax.nn.relu(h)
    return jax.nn.log_softmax(h, axis=-1)

if __name__ == "__main__":
    import jax
    _d = setup_inputs()
    print(jax.jit(kernel)(*tuple(_d.values())))

</pallas_src>

<mosaic_0001>
#map = affine_map<(d0, d1) -> (0, 0)>
#map1 = affine_map<(d0, d1) -> (0, 0, 0)>
module attributes {stable_mosaic.version = 14 : i64} {
  func.func @_agg_body(%arg0: i32, %arg1: i32, %arg2: memref<10000x128xf32, #tpu.memory_space<hbm>>, %arg3: memref<2x320000xi32, #tpu.memory_space<hbm>>, %arg4: memref<2x10112x128xf32, #tpu.memory_space<hbm>>, %arg5: memref<1x128xi32, #tpu.memory_space<vmem>>, %arg6: memref<1x128xi32, #tpu.memory_space<vmem>>, %arg7: memref<1x128xi32, #tpu.memory_space<vmem>>, %arg8: memref<1x128xi32, #tpu.memory_space<vmem>>, %arg9: memref<1x128xi32, #tpu.memory_space<vmem>>, %arg10: memref<1x128xi32, #tpu.memory_space<vmem>>, %arg11: memref<128x128xf32, #tpu.memory_space<vmem>>, %arg12: memref<128x128xf32, #tpu.memory_space<vmem>>, %arg13: memref<128x128xf32, #tpu.memory_space<vmem>>, %arg14: memref<!tpu.dma_semaphore, #tpu.memory_space<semaphore_mem>>, %arg15: memref<!tpu.dma_semaphore, #tpu.memory_space<semaphore_mem>>, %arg16: memref<!tpu.dma_semaphore, #tpu.memory_space<semaphore_mem>>, %arg17: memref<!tpu.dma_semaphore, #tpu.memory_space<semaphore_mem>>, %arg18: memref<!tpu.dma_semaphore, #tpu.memory_space<semaphore_mem>>, %arg19: memref<!tpu.dma_semaphore, #tpu.memory_space<semaphore_mem>>, %arg20: memref<!tpu.dma_semaphore, #tpu.memory_space<semaphore_mem>>, %arg21: memref<!tpu.dma_semaphore, #tpu.memory_space<semaphore_mem>>, %arg22: memref<!tpu.dma_semaphore, #tpu.memory_space<semaphore_mem>>, %arg23: memref<!tpu.dma_semaphore, #tpu.memory_space<semaphore_mem>>, %arg24: memref<!tpu.dma_semaphore, #tpu.memory_space<semaphore_mem>>, %arg25: memref<!tpu.dma_semaphore, #tpu.memory_space<semaphore_mem>>, %arg26: memref<10112x128xf32, #tpu.memory_space<vmem_shared>>) attributes {dimension_semantics = [#tpu.dimension_semantics<core_parallel>, #tpu.dimension_semantics<subcore_parallel>], iteration_bounds = array<i64: 2, 16>, scalar_prefetch = 0 : i64, scratch_operands = 22 : i64, tpu.core_type = #tpu.core_type<sc_vector_subcore>, window_params = [{transform_indices = #map}, {transform_indices = #map}, {transform_indices = #map1}]} {
    %mul3A = arith.constant 16 : i32
    %mul3A_0 = arith.muli %arg0, %mul3A : i32
    %add3A = arith.addi %mul3A_0, %arg1 : i32
    %lt3A = arith.constant 4 : i32
    %lt3A_1 = arith.cmpi slt, %add3A, %lt3A : i32
    %jit3A = arith.constant 1 : i32
    %jit3A_2 = arith.constant 0 : i32
    %select_n3A = arith.select %lt3A_1, %jit3A, %jit3A_2 : i32
    %add3A_3 = arith.constant 78 : i32
    %add3A_4 = arith.addi %add3A_3, %select_n3A : i32
    %scan3A = arith.constant 0 : i32
    %scan3A_5 = arith.constant 0 : i32
    %scan3A_6 = arith.constant 128 : i32
    %scan3A_7 = arith.addi %scan3A_5, %scan3A_6 : i32
    %scan3A_8 = arith.constant 1 : i32
    scf.for %scan3A_161 = %scan3A_5 to %scan3A_7 step %scan3A_8  : i32 {
      %broadcast_in_dim3A = arith.constant 0.000000e+00 : f32
      %broadcast_in_dim3A_162 = vector.broadcast %broadcast_in_dim3A : f32 to vector<16xf32>
      %swap3A = arith.index_cast %scan3A_161 : i32 to index
      %swap3A_163 = arith.constant 0 : index
      %swap3A_164 = tpu.vector_load %arg11[%swap3A, %swap3A_163] {strides = array<i32>} : memref<128x128xf32, #tpu.memory_space<vmem>>, vector<1x16xf32>,
      %swap3A_165 = vector.shape_cast %swap3A_164 : vector<1x16xf32> to vector<16xf32>
      %swap3A_166 = vector.shape_cast %broadcast_in_dim3A_162 : vector<16xf32> to vector<1x16xf32>
      tpu.vector_store %arg11[%swap3A, %swap3A_163], %swap3A_166 {strides = array<i32>} : memref<128x128xf32, #tpu.memory_space<vmem>>, vector<1x16xf32>,
      %broadcast_in_dim3A_167 = arith.constant 0.000000e+00 : f32
      %broadcast_in_dim3A_168 = vector.broadcast %broadcast_in_dim3A_167 : f32 to vector<16xf32>
      %swap3A_169 = arith.index_cast %scan3A_161 : i32 to index
      %swap3A_170 = arith.constant 16 : index
      %swap3A_171 = tpu.vector_load %arg11[%swap3A_169, %swap3A_170] {strides = array<i32>} : memref<128x128xf32, #tpu.memory_space<vmem>>, vector<1x16xf32>,
      %swap3A_172 = vector.shape_cast %swap3A_171 : vector<1x16xf32> to vector<16xf32>
      %swap3A_173 = vector.shape_cast %broadcast_in_dim3A_168 : vector<16xf32> to vector<1x16xf32>
      tpu.vector_store %arg11[%swap3A_169, %swap3A_170], %swap3A_173 {strides = array<i32>} : memref<128x128xf32, #tpu.memory_space<vmem>>, vector<1x16xf32>,
      %broadcast_in_dim3A_174 = arith.constant 0.000000e+00 : f32
      %broadcast_in_dim3A_175 = vector.broadcast %broadcast_in_dim3A_174 : f32 to vector<16xf32>
      %swap3A_176 = arith.index_cast %scan3A_161 : i32 to index
      %swap3A_177 = arith.constant 32 : index
      %swap3A_178 = tpu.vector_load %arg11[%swap3A_176, %swap3A_177] {strides = array<i32>} : memref<128x128xf32, #tpu.memory_space<vmem>>, vector<1x16xf32>,
      %swap3A_179 = vector.shape_cast %swap3A_178 : vector<1x16xf32> to vector<16xf32>
      %swap3A_180 = vector.shape_cast %broadcast_in_dim3A_175 : vector<16xf32> to vector<1x16xf32>
      tpu.vector_store %arg11[%swap3A_176, %swap3A_177], %swap3A_180 {strides = array<i32>} : memref<128x128xf32, #tpu.memory_space<vmem>>, vector<1x16xf32>,
      %broadcast_in_dim3A_181 = arith.constant 0.000000e+00 : f32
      %broadcast_in_dim3A_182 = vector.broadcast %broadcast_in_dim3A_181 : f32 to vector<16xf32>
      %swap3A_183 = arith.index_cast %scan3A_161 : i32 to index
      %swap3A_184 = arith.constant 48 : index
      %swap3A_185 = tpu.vector_load %arg11[%swap3A_183, %swap3A_184] {strides = array<i32>} : memref<128x128xf32, #tpu.memory_space<vmem>>, vector<1x16xf32>,
      %swap3A_186 = vector.shape_cast %swap3A_185 : vector<1x16xf32> to vector<16xf32>
      %swap3A_187 = vector.shape_cast %broadcast_in_dim3A_182 : vector<16xf32> to vector<1x16xf32>
      tpu.vector_store %arg11[%swap3A_183, %swap3A_184], %swap3A_187 {strides = array<i32>} : memref<128x128xf32, #tpu.memory_space<vmem>>, vector<1x16xf32>,
      %broadcast_in_dim3A_188 = arith.constant 0.000000e+00 : f32
      %broadcast_in_dim3A_189 = vector.broadcast %broadcast_in_dim3A_188 : f32 to vector<16xf32>
      %swap3A_190 = arith.index_cast %scan3A_161 : i32 to index
      %swap3A_191 = arith.constant 64 : index
      %swap3A_192 = tpu.vector_load %arg11[%swap3A_190, %swap3A_191] {strides = array<i32>} : memref<128x128xf32, #tpu.memory_space<vmem>>, vector<1x16xf32>,
      %swap3A_193 = vector.shape_cast %swap3A_192 : vector<1x16xf32> to vector<16xf32>
      %swap3A_194 = vector.shape_cast %broadcast_in_dim3A_189 : vector<16xf32> to vector<1x16xf32>
      tpu.vector_store %arg11[%swap3A_190, %swap3A_191], %swap3A_194 {strides = array<i32>} : memref<128x128xf32, #tpu.memory_space<vmem>>, vector<1x16xf32>,
      %broadcast_in_dim3A_195 = arith.constant 0.000000e+00 : f32
      %broadcast_in_dim3A_196 = vector.broadcast %broadcast_in_dim3A_195 : f32 to vector<16xf32>
      %swap3A_197 = arith.index_cast %scan3A_161 : i32 to index
      %swap3A_198 = arith.constant 80 : index
      %swap3A_199 = tpu.vector_load %arg11[%swap3A_197, %swap3A_198] {strides = array<i32>} : memref<128x128xf32, #tpu.memory_space<vmem>>, vector<1x16xf32>,
      %swap3A_200 = vector.shape_cast %swap3A_199 : vector<1x16xf32> to vector<16xf32>
      %swap3A_201 = vector.shape_cast %broadcast_in_dim3A_196 : vector<16xf32> to vector<1x16xf32>
      tpu.vector_store %arg11[%swap3A_197, %swap3A_198], %swap3A_201 {strides = array<i32>} : memref<128x128xf32, #tpu.memory_space<vmem>>, vector<1x16xf32>,
      %broadcast_in_dim3A_202 = arith.constant 0.000000e+00 : f32
      %broadcast_in_dim3A_203 = vector.broadcast %broadcast_in_dim3A_202 : f32 to vector<16xf32>
      %swap3A_204 = arith.index_cast %scan3A_161 : i32 to index
      %swap3A_205 = arith.constant 96 : index
      %swap3A_206 = tpu.vector_load %arg11[%swap3A_204, %swap3A_205] {strides = array<i32>} : memref<128x128xf32, #tpu.memory_space<vmem>>, vector<1x16xf32>,
      %swap3A_207 = vector.shape_cast %swap3A_206 : vector<1x16xf32> to vector<16xf32>
      %swap3A_208 = vector.shape_cast %broadcast_in_dim3A_203 : vector<16xf32> to vector<1x16xf32>
      tpu.vector_store %arg11[%swap3A_204, %swap3A_205], %swap3A_208 {strides = array<i32>} : memref<128x128xf32, #tpu.memory_space<vmem>>, vector<1x16xf32>,
      %broadcast_in_dim3A_209 = arith.constant 0.000000e+00 : f32
      %broadcast_in_dim3A_210 = vector.broadcast %broadcast_in_dim3A_209 : f32 to vector<16xf32>
      %swap3A_211 = arith.index_cast %scan3A_161 : i32 to index
      %swap3A_212 = arith.constant 112 : index
      %swap3A_213 = tpu.vector_load %arg11[%swap3A_211, %swap3A_212] {strides = array<i32>} : memref<128x128xf32, #tpu.memory_space<vmem>>, vector<1x16xf32>,
      %swap3A_214 = vector.shape_cast %swap3A_213 : vector<1x16xf32> to vector<16xf32>
      %swap3A_215 = vector.shape_cast %broadcast_in_dim3A_210 : vector<16xf32> to vector<1x16xf32>
      tpu.vector_store %arg11[%swap3A_211, %swap3A_212], %swap3A_215 {strides = array<i32>} : memref<128x128xf32, #tpu.memory_space<vmem>>, vector<1x16xf32>,
    }
    %scan3A_9 = arith.constant 128 : i32
    %mul3A_10 = arith.constant 632 : i32
    %mul3A_11 = arith.muli %arg1, %mul3A_10 : i32
    %add3A_12 = arith.constant 0 : i32
    %add3A_13 = arith.addi %mul3A_11, %add3A_12 : i32
    "tpu.region"() ({
      %run_scoped3A = tpu.sem_alloc : memref<!tpu.dma_semaphore, #tpu.memory_space<semaphore_mem>>
      %dma_start3A_161 = arith.constant 0 : i32
      %dma_start3A_162 = tpu.memref_slice %arg26[%add3A_13, %dma_start3A_161] : memref<10112x128xf32, #tpu.memory_space<vmem_shared>> -> memref<128x128xf32, #tpu.memory_space<vmem_shared>>
      %dma_start3A_163 = arith.constant 0 : i32
      %dma_start3A_164 = tpu.memref_slice %arg26[%add3A_13, %dma_start3A_163] : memref<10112x128xf32, #tpu.memory_space<vmem_shared>> -> memref<128x128xf32, #tpu.memory_space<vmem_shared>>
      tpu.enqueue_dma source(%arg11 : memref<128x128xf32, #tpu.memory_space<vmem>>) target(%dma_start3A_164 : memref<128x128xf32, #tpu.memory_space<vmem_shared>>) target_semaphore(%run_scoped3A : memref<!tpu.dma_semaphore, #tpu.memory_space<semaphore_mem>>)
      %dma_wait3A_165 = arith.constant 0 : i32
      %dma_wait3A_166 = tpu.memref_slice %arg26[%add3A_13, %dma_wait3A_165] : memref<10112x128xf32, #tpu.memory_space<vmem_shared>> -> memref<128x128xf32, #tpu.memory_space<vmem_shared>>
      %dma_wait3A_167 = arith.constant 0 : i32
      %dma_wait3A_168 = tpu.memref_slice %arg26[%add3A_13, %dma_wait3A_167] : memref<10112x128xf32, #tpu.memory_space<vmem_shared>> -> memref<128x128xf32, #tpu.memory_space<vmem_shared>>
      tpu.wait_dma2 semaphore(%run_scoped3A : memref<!tpu.dma_semaphore, #tpu.memory_space<semaphore_mem>>) src(%arg11 : memref<128x128xf32, #tpu.memory_space<vmem>>) dst(%dma_wait3A_168 : memref<128x128xf32, #tpu.memory_space<vmem_shared>>)
      tpu.yield
    }) : () -> ()
    %add3A_14 = arith.constant 128 : i32
    %add3A_15 = arith.addi %mul3A_11, %add3A_14 : i32
    "tpu.region"() ({
      %run_scoped3A = tpu.sem_alloc : memref<!tpu.dma_semaphore, #tpu.memory_space<semaphore_mem>>
      %dma_start3A_161 = arith.constant 0 : i32
      %dma_start3A_162 = tpu.memref_slice %arg26[%add3A_15, %dma_start3A_161] : memref<10112x128xf32, #tpu.memory_space<vmem_shared>> -> memref<128x128xf32, #tpu.memory_space<vmem_shared>>
      %dma_start3A_163 = arith.constant 0 : i32
      %dma_start3A_164 = tpu.memref_slice %arg26[%add3A_15, %dma_start3A_163] : memref<10112x128xf32, #tpu.memory_space<vmem_shared>> -> memref<128x128xf32, #tpu.memory_space<vmem_shared>>
      tpu.enqueue_dma source(%arg11 : memref<128x128xf32, #tpu.memory_space<vmem>>) target(%dma_start3A_164 : memref<128x128xf32, #tpu.memory_space<vmem_shared>>) target_semaphore(%run_scoped3A : memref<!tpu.dma_semaphore, #tpu.memory_space<semaphore_mem>>)
      %dma_wait3A_165 = arith.constant 0 : i32
      %dma_wait3A_166 = tpu.memref_slice %arg26[%add3A_15, %dma_wait3A_165] : memref<10112x128xf32, #tpu.memory_space<vmem_shared>> -> memref<128x128xf32, #tpu.memory_space<vmem_shared>>
      %dma_wait3A_167 = arith.constant 0 : i32
      %dma_wait3A_168 = tpu.memref_slice %arg26[%add3A_15, %dma_wait3A_167] : memref<10112x128xf32, #tpu.memory_space<vmem_shared>> -> memref<128x128xf32, #tpu.memory_space<vmem_shared>>
      tpu.wait_dma2 semaphore(%run_scoped3A : memref<!tpu.dma_semaphore, #tpu.memory_space<semaphore_mem>>) src(%arg11 : memref<128x128xf32, #tpu.memory_space<vmem>>) dst(%dma_wait3A_168 : memref<128x128xf32, #tpu.memory_space<vmem_shared>>)
      tpu.yield
    }) : () -> ()
    %add3A_16 = arith.constant 256 : i32
    %add3A_17 = arith.addi %mul3A_11, %add3A_16 : i32
    "tpu.region"() ({
      %run_scoped3A = tpu.sem_alloc : memref<!tpu.dma_semaphore, #tpu.memory_space<semaphore_mem>>
      %dma_start3A_161 = arith.constant 0 : i32
      %dma_start3A_162 = tpu.memref_slice %arg26[%add3A_17, %dma_start3A_161] : memref<10112x128xf32, #tpu.memory_space<vmem_shared>> -> memref<128x128xf32, #tpu.memory_space<vmem_shared>>
      %dma_start3A_163 = arith.constant 0 : i32
      %dma_start3A_164 = tpu.memref_slice %arg26[%add3A_17, %dma_start3A_163] : memref<10112x128xf32, #tpu.memory_space<vmem_shared>> -> memref<128x128xf32, #tpu.memory_space<vmem_shared>>
      tpu.enqueue_dma source(%arg11 : memref<128x128xf32, #tpu.memory_space<vmem>>) target(%dma_start3A_164 : memref<128x128xf32, #tpu.memory_space<vmem_shared>>) target_semaphore(%run_scoped3A : memref<!tpu.dma_semaphore, #tpu.memory_space<semaphore_mem>>)
      %dma_wait3A_165 = arith.constant 0 : i32
      %dma_wait3A_166 = tpu.memref_slice %arg26[%add3A_17, %dma_wait3A_165] : memref<10112x128xf32, #tpu.memory_space<vmem_shared>> -> memref<128x128xf32, #tpu.memory_space<vmem_shared>>
      %dma_wait3A_167 = arith.constant 0 : i32
      %dma_wait3A_168 = tpu.memref_slice %arg26[%add3A_17, %dma_wait3A_167] : memref<10112x128xf32, #tpu.memory_space<vmem_shared>> -> memref<128x128xf32, #tpu.memory_space<vmem_shared>>
      tpu.wait_dma2 semaphore(%run_scoped3A : memref<!tpu.dma_semaphore, #tpu.memory_space<semaphore_mem>>) src(%arg11 : memref<128x128xf32, #tpu.memory_space<vmem>>) dst(%dma_wait3A_168 : memref<128x128xf32, #tpu.memory_space<vmem_shared>>)
      tpu.yield
    }) : () -> ()
    %add3A_18 = arith.constant 384 : i32
    %add3A_19 = arith.addi %mul3A_11, %add3A_18 : i32
    "tpu.region"() ({
      %run_scoped3A = tpu.sem_alloc : memref<!tpu.dma_semaphore, #tpu.memory_space<semaphore_mem>>
      %dma_start3A_161 = arith.constant 0 : i32
      %dma_start3A_162 = tpu.memref_slice %arg26[%add3A_19, %dma_start3A_161] : memref<10112x128xf32, #tpu.memory_space<vmem_shared>> -> memref<128x128xf32, #tpu.memory_space<vmem_shared>>
      %dma_start3A_163 = arith.constant 0 : i32
      %dma_start3A_164 = tpu.memref_slice %arg26[%add3A_19, %dma_start3A_163] : memref<10112x128xf32, #tpu.memory_space<vmem_shared>> -> memref<128x128xf32, #tpu.memory_space<vmem_shared>>
      tpu.enqueue_dma source(%arg11 : memref<128x128xf32, #tpu.memory_space<vmem>>) target(%dma_start3A_164 : memref<128x128xf32, #tpu.memory_space<vmem_shared>>) target_semaphore(%run_scoped3A : memref<!tpu.dma_semaphore, #tpu.memory_space<semaphore_mem>>)
      %dma_wait3A_165 = arith.constant 0 : i32
      %dma_wait3A_166 = tpu.memref_slice %arg26[%add3A_19, %dma_wait3A_165] : memref<10112x128xf32, #tpu.memory_space<vmem_shared>> -> memref<128x128xf32, #tpu.memory_space<vmem_shared>>
      %dma_wait3A_167 = arith.constant 0 : i32
      %dma_wait3A_168 = tpu.memref_slice %arg26[%add3A_19, %dma_wait3A_167] : memref<10112x128xf32, #tpu.memory_space<vmem_shared>> -> memref<128x128xf32, #tpu.memory_space<vmem_shared>>
      tpu.wait_dma2 semaphore(%run_scoped3A : memref<!tpu.dma_semaphore, #tpu.memory_space<semaphore_mem>>) src(%arg11 : memref<128x128xf32, #tpu.memory_space<vmem>>) dst(%dma_wait3A_168 : memref<128x128xf32, #tpu.memory_space<vmem_shared>>)
      tpu.yield
    }) : () -> ()
    %add3A_20 = arith.constant 512 : i32
    %add3A_21 = arith.addi %mul3A_11, %add3A_20 : i32
    "tpu.region"() ({
      %run_scoped3A = tpu.sem_alloc : memref<!tpu.dma_semaphore, #tpu.memory_space<semaphore_mem>>
      %dma_start3A_161 = arith.constant 0 : i32
      %dma_start3A_162 = arith.constant 0 : i32
      %dma_start3A_163 = tpu.memref_slice %arg11[%dma_start3A_161, %dma_start3A_162] : memref<128x128xf32, #tpu.memory_space<vmem>> -> memref<120x128xf32, #tpu.memory_space<vmem>>
      %dma_start3A_164 = arith.constant 0 : i32
      %dma_start3A_165 = tpu.memref_slice %arg26[%add3A_21, %dma_start3A_164] : memref<10112x128xf32, #tpu.memory_space<vmem_shared>> -> memref<120x128xf32, #tpu.memory_space<vmem_shared>>
      %dma_start3A_166 = arith.constant 0 : i32
      %dma_start3A_167 = tpu.memref_slice %arg26[%add3A_21, %dma_start3A_166] : memref<10112x128xf32, #tpu.memory_space<vmem_shared>> -> memref<120x128xf32, #tpu.memory_space<vmem_shared>>
      %dma_start3A_168 = arith.constant 0 : i32
      %dma_start3A_169 = arith.constant 0 : i32
      %dma_start3A_170 = tpu.memref_slice %arg11[%dma_start3A_168, %dma_start3A_169] : memref<128x128xf32, #tpu.memory_space<vmem>> -> memref<120x128xf32, #tpu.memory_space<vmem>>
      tpu.enqueue_dma source(%dma_start3A_170 : memref<120x128xf32, #tpu.memory_space<vmem>>) target(%dma_start3A_167 : memref<120x128xf32, #tpu.memory_space<vmem_shared>>) target_semaphore(%run_scoped3A : memref<!tpu.dma_semaphore, #tpu.memory_space<semaphore_mem>>)
      %dma_wait3A_171 = arith.constant 0 : i32
      %dma_wait3A_172 = arith.constant 0 : i32
      %dma_wait3A_173 = tpu.memref_slice %arg11[%dma_wait3A_171, %dma_wait3A_172] : memref<128x128xf32, #tpu.memory_space<vmem>> -> memref<120x128xf32, #tpu.memory_space<vmem>>
      %dma_wait3A_174 = arith.constant 0 : i32
      %dma_wait3A_175 = tpu.memref_slice %arg26[%add3A_21, %dma_wait3A_174] : memref<10112x128xf32, #tpu.memory_space<vmem_shared>> -> memref<120x128xf32, #tpu.memory_space<vmem_shared>>
      %dma_wait3A_176 = arith.constant 0 : i32
      %dma_wait3A_177 = tpu.memref_slice %arg26[%add3A_21, %dma_wait3A_176] : memref<10112x128xf32, #tpu.memory_space<vmem_shared>> -> memref<120x128xf32, #tpu.memory_space<vmem_shared>>
      %dma_wait3A_178 = arith.constant 0 : i32
      %dma_wait3A_179 = arith.constant 0 : i32
      %dma_wait3A_180 = tpu.memref_slice %arg11[%dma_wait3A_178, %dma_wait3A_179] : memref<128x128xf32, #tpu.memory_space<vmem>> -> memref<120x128xf32, #tpu.memory_space<vmem>>
      tpu.wait_dma2 semaphore(%run_scoped3A : memref<!tpu.dma_semaphore, #tpu.memory_space<semaphore_mem>>) src(%dma_wait3A_180 : memref<120x128xf32, #tpu.memory_space<vmem>>) dst(%dma_wait3A_177 : memref<120x128xf32, #tpu.memory_space<vmem_shared>>)
      tpu.yield
    }) : () -> ()
    %add3A_22 = arith.constant 0 : i32
    %add3A_23 = arith.addi %add3A_22, %add3A : i32
    %mul3A_24 = arith.constant 128 : i32
    %mul3A_25 = arith.muli %add3A_23, %mul3A_24 : i32
    %multiple_of3A = tpu.assume_multiple %mul3A_25, 128 : i32
    %dma_start3A = arith.constant 0 : i32
    %dma_start3A_26 = tpu.memref_slice %arg3[%dma_start3A, %multiple_of3A] : memref<2x320000xi32, #tpu.memory_space<hbm>> -> memref<1x128xi32, #tpu.memory_space<hbm>>
    %dma_start3A_27 = arith.constant 0 : i32
    %dma_start3A_28 = tpu.memref_slice %arg3[%dma_start3A_27, %multiple_of3A] : memref<2x320000xi32, #tpu.memory_space<hbm>> -> memref<1x128xi32, #tpu.memory_space<hbm>>
    tpu.enqueue_dma source(%dma_start3A_28 : memref<1x128xi32, #tpu.memory_space<hbm>>) target(%arg5 : memref<1x128xi32, #tpu.memory_space<vmem>>) target_semaphore(%arg20 : memref<!tpu.dma_semaphore, #tpu.memory_space<semaphore_mem>>)
    %add3A_29 = arith.constant 32 : i32
    %add3A_30 = arith.addi %add3A_29, %add3A : i32
    %mul3A_31 = arith.constant 128 : i32
    %mul3A_32 = arith.muli %add3A_30, %mul3A_31 : i32
    %multiple_of3A_33 = tpu.assume_multiple %mul3A_32, 128 : i32
    %dma_start3A_34 = arith.constant 0 : i32
    %dma_start3A_35 = tpu.memref_slice %arg3[%dma_start3A_34, %multiple_of3A_33] : memref<2x320000xi32, #tpu.memory_space<hbm>> -> memref<1x128xi32, #tpu.memory_space<hbm>>
    %dma_start3A_36 = arith.constant 0 : i32
    %dma_start3A_37 = tpu.memref_slice %arg3[%dma_start3A_36, %multiple_of3A_33] : memref<2x320000xi32, #tpu.memory_space<hbm>> -> memref<1x128xi32, #tpu.memory_space<hbm>>
    tpu.enqueue_dma source(%dma_start3A_37 : memref<1x128xi32, #tpu.memory_space<hbm>>) target(%arg6 : memref<1x128xi32, #tpu.memory_space<vmem>>) target_semaphore(%arg21 : memref<!tpu.dma_semaphore, #tpu.memory_space<semaphore_mem>>)
    %add3A_38 = arith.constant 64 : i32
    %add3A_39 = arith.addi %add3A_38, %add3A : i32
    %mul3A_40 = arith.constant 128 : i32
    %mul3A_41 = arith.muli %add3A_39, %mul3A_40 : i32
    %multiple_of3A_42 = tpu.assume_multiple %mul3A_41, 128 : i32
    %dma_start3A_43 = arith.constant 0 : i32
    %dma_start3A_44 = tpu.memref_slice %arg3[%dma_start3A_43, %multiple_of3A_42] : memref<2x320000xi32, #tpu.memory_space<hbm>> -> memref<1x128xi32, #tpu.memory_space<hbm>>
    %dma_start3A_45 = arith.constant 0 : i32
    %dma_start3A_46 = tpu.memref_slice %arg3[%dma_start3A_45, %multiple_of3A_42] : memref<2x320000xi32, #tpu.memory_space<hbm>> -> memref<1x128xi32, #tpu.memory_space<hbm>>
    tpu.enqueue_dma source(%dma_start3A_46 : memref<1x128xi32, #tpu.memory_space<hbm>>) target(%arg7 : memref<1x128xi32, #tpu.memory_space<vmem>>) target_semaphore(%arg22 : memref<!tpu.dma_semaphore, #tpu.memory_space<semaphore_mem>>)
    %add3A_47 = arith.constant 0 : i32
    %add3A_48 = arith.addi %add3A_47, %add3A : i32
    %mul3A_49 = arith.constant 128 : i32
    %mul3A_50 = arith.muli %add3A_48, %mul3A_49 : i32
    %multiple_of3A_51 = tpu.assume_multiple %mul3A_50, 128 : i32
    %dma_start3A_52 = arith.constant 1 : i32
    %dma_start3A_53 = tpu.memref_slice %arg3[%dma_start3A_52, %multiple_of3A_51] : memref<2x320000xi32, #tpu.memory_space<hbm>> -> memref<1x128xi32, #tpu.memory_space<hbm>>
    %dma_start3A_54 = arith.constant 1 : i32
    %dma_start3A_55 = tpu.memref_slice %arg3[%dma_start3A_54, %multiple_of3A_51] : memref<2x320000xi32, #tpu.memory_space<hbm>> -> memref<1x128xi32, #tpu.memory_space<hbm>>
    tpu.enqueue_dma source(%dma_start3A_55 : memref<1x128xi32, #tpu.memory_space<hbm>>) target(%arg8 : memref<1x128xi32, #tpu.memory_space<vmem>>) target_semaphore(%arg23 : memref<!tpu.dma_semaphore, #tpu.memory_space<semaphore_mem>>)
    %add3A_56 = arith.constant 32 : i32
    %add3A_57 = arith.addi %add3A_56, %add3A : i32
    %mul3A_58 = arith.constant 128 : i32
    %mul3A_59 = arith.muli %add3A_57, %mul3A_58 : i32
    %multiple_of3A_60 = tpu.assume_multiple %mul3A_59, 128 : i32
    %dma_start3A_61 = arith.constant 1 : i32
    %dma_start3A_62 = tpu.memref_slice %arg3[%dma_start3A_61, %multiple_of3A_60] : memref<2x320000xi32, #tpu.memory_space<hbm>> -> memref<1x128xi32, #tpu.memory_space<hbm>>
    %dma_start3A_63 = arith.constant 1 : i32
    %dma_start3A_64 = tpu.memref_slice %arg3[%dma_start3A_63, %multiple_of3A_60] : memref<2x320000xi32, #tpu.memory_space<hbm>> -> memref<1x128xi32, #tpu.memory_space<hbm>>
    tpu.enqueue_dma source(%dma_start3A_64 : memref<1x128xi32, #tpu.memory_space<hbm>>) target(%arg9 : memref<1x128xi32, #tpu.memory_space<vmem>>) target_semaphore(%arg24 : memref<!tpu.dma_semaphore, #tpu.memory_space<semaphore_mem>>)
    %dma_wait3A = arith.constant 0 : i32
    %dma_wait3A_65 = arith.constant 0 : i32
    %dma_wait3A_66 = tpu.memref_slice %arg3[%dma_wait3A, %dma_wait3A_65] : memref<2x320000xi32, #tpu.memory_space<hbm>> -> memref<1x128xi32, #tpu.memory_space<hbm>>
    %dma_wait3A_67 = arith.constant 0 : i32
    %dma_wait3A_68 = arith.constant 0 : i32
    %dma_wait3A_69 = tpu.memref_slice %arg3[%dma_wait3A_67, %dma_wait3A_68] : memref<2x320000xi32, #tpu.memory_space<hbm>> -> memref<1x128xi32, #tpu.memory_space<hbm>>
    tpu.wait_dma2 semaphore(%arg20 : memref<!tpu.dma_semaphore, #tpu.memory_space<semaphore_mem>>) src(%dma_wait3A_69 : memref<1x128xi32, #tpu.memory_space<hbm>>) dst(%arg5 : memref<1x128xi32, #tpu.memory_space<vmem>>)
    %dma_start3A_70 = arith.constant 0 : i32
    %dma_start3A_71 = arith.constant 0 : i32
    %dma_start3A_72 = tpu.memref_slice %arg5[%dma_start3A_70, %dma_start3A_71] : memref<1x128xi32, #tpu.memory_space<vmem>> -> memref<1x128xi32, #tpu.memory_space<vmem>>
    %dma_start3A_73 = tpu.memref_squeeze %dma_start3A_72 : memref<1x128xi32, #tpu.memory_space<vmem>> -> memref<128xi32, #tpu.memory_space<vmem>>
    %dma_start3A_74 = arith.constant 0 : i32
    %dma_start3A_75 = arith.constant 0 : i32
    %dma_start3A_76 = tpu.memref_slice %arg2[%dma_start3A_74, %dma_start3A_75] : memref<10000x128xf32, #tpu.memory_space<hbm>> -> memref<10000x128xf32, #tpu.memory_space<hbm>>
    tpu.enqueue_indirect_dma source(%dma_start3A_76 : memref<10000x128xf32, #tpu.memory_space<hbm>>) target(%arg11 : memref<128x128xf32, #tpu.memory_space<vmem>>) offsets(%dma_start3A_73 : memref<128xi32, #tpu.memory_space<vmem>>) semaphore(%arg14 : memref<!tpu.dma_semaphore, #tpu.memory_space<semaphore_mem>>)
    %dma_wait3A_77 = arith.constant 0 : i32
    %dma_wait3A_78 = arith.constant 0 : i32
    %dma_wait3A_79 = tpu.memref_slice %arg3[%dma_wait3A_77, %dma_wait3A_78] : memref<2x320000xi32, #tpu.memory_space<hbm>> -> memref<1x128xi32, #tpu.memory_space<hbm>>
    %dma_wait3A_80 = arith.constant 0 : i32
    %dma_wait3A_81 = arith.constant 0 : i32
    %dma_wait3A_82 = tpu.memref_slice %arg3[%dma_wait3A_80, %dma_wait3A_81] : memref<2x320000xi32, #tpu.memory_space<hbm>> -> memref<1x128xi32, #tpu.memory_space<hbm>>
    tpu.wait_dma2 semaphore(%arg21 : memref<!tpu.dma_semaphore, #tpu.memory_space<semaphore_mem>>) src(%dma_wait3A_82 : memref<1x128xi32, #tpu.memory_space<hbm>>) dst(%arg6 : memref<1x128xi32, #tpu.memory_space<vmem>>)
    %dma_start3A_83 = arith.constant 0 : i32
    %dma_start3A_84 = arith.constant 0 : i32
    %dma_start3A_85 = tpu.memref_slice %arg6[%dma_start3A_83, %dma_start3A_84] : memref<1x128xi32, #tpu.memory_space<vmem>> -> memref<1x128xi32, #tpu.memory_space<vmem>>
    %dma_start3A_86 = tpu.memref_squeeze %dma_start3A_85 : memref<1x128xi32, #tpu.memory_space<vmem>> -> memref<128xi32, #tpu.memory_space<vmem>>
    %dma_start3A_87 = arith.constant 0 : i32
    %dma_start3A_88 = arith.constant 0 : i32
    %dma_start3A_89 = tpu.memref_slice %arg2[%dma_start3A_87, %dma_start3A_88] : memref<10000x128xf32, #tpu.memory_space<hbm>> -> memref<10000x128xf32, #tpu.memory_space<hbm>>
    tpu.enqueue_indirect_dma source(%dma_start3A_89 : memref<10000x128xf32, #tpu.memory_space<hbm>>) target(%arg12 : memref<128x128xf32, #tpu.memory_space<vmem>>) offsets(%dma_start3A_86 : memref<128xi32, #tpu.memory_space<vmem>>) semaphore(%arg15 : memref<!tpu.dma_semaphore, #tpu.memory_space<semaphore_mem>>)
    %barrier3A = arith.constant 0 : index
    tpu.barrier barrier_id(%barrier3A)
    %jit3A_90 = arith.constant 3 : i32
    %div3A = arith.divsi %add3A_4, %jit3A_90 : i32
    %sign3A = arith.constant 0 : i32
    %sign3A_91 = arith.cmpi sgt, %add3A_4, %sign3A : i32
    %sign3A_92 = arith.extui %sign3A_91 : i1 to i32
    %sign3A_93 = arith.constant 0 : i32
    %sign3A_94 = arith.cmpi slt, %add3A_4, %sign3A_93 : i32
    %sign3A_95 = arith.extui %sign3A_94 : i1 to i32
    %sign3A_96 = arith.subi %sign3A_92, %sign3A_95 : i32
    %sign3A_97 = arith.constant 0 : i32
    %sign3A_98 = arith.cmpi sgt, %jit3A_90, %sign3A_97 : i32
    %sign3A_99 = arith.extui %sign3A_98 : i1 to i32
    %sign3A_100 = arith.constant 0 : i32
    %sign3A_101 = arith.cmpi slt, %jit3A_90, %sign3A_100 : i32
    %sign3A_102 = arith.extui %sign3A_101 : i1 to i32
    %sign3A_103 = arith.subi %sign3A_99, %sign3A_102 : i32
    %ne3A = arith.cmpi ne, %sign3A_96, %sign3A_103 : i32
    %rem3A = arith.remsi %add3A_4, %jit3A_90 : i32
    %ne3A_104 = arith.constant 0 : i32
    %ne3A_105 = arith.cmpi ne, %rem3A, %ne3A_104 : i32
    %and3A = arith.andi %ne3A, %ne3A_105 : i1
    %sub3A = arith.constant 1 : i32
    %sub3A_106 = arith.subi %div3A, %sub3A : i32
    %select_n3A_107 = arith.select %and3A, %sub3A_106, %div3A : i32
    %while3A = arith.constant 0 : i32
    %while3A_108 = arith.constant 0 : i32
    %while3A_109 = arith.subi %select_n3A_107, %while3A_108 : i32
    %while3A_110 = arith.addi %while3A_108, %while3A_109 : i32
    %while3A_111 = arith.constant 1 : i32
    %while3A_112 = arith.divsi %while3A_109, %while3A_111 : i32
    %while3A_113 = arith.muli %while3A_112, %while3A_111 : i32
    %while3A_114 = arith.addi %while3A_108, %while3A_113 : i32
    %while3A_115 = arith.constant 1 : i32
    scf.for %while3A_161 = %while3A_108 to %while3A_114 step %while3A_115  : i32 {
      %mul3A_162 = arith.constant 3 : i32
      %mul3A_163 = arith.muli %mul3A_162, %while3A_161 : i32
      %dma_wait3A_164 = arith.constant 0 : i32
      %dma_wait3A_165 = arith.constant 0 : i32
      %dma_wait3A_166 = tpu.memref_slice %arg5[%dma_wait3A_164, %dma_wait3A_165] : memref<1x128xi32, #tpu.memory_space<vmem>> -> memref<1x128xi32, #tpu.memory_space<vmem>>
      %dma_wait3A_167 = tpu.memref_squeeze %dma_wait3A_166 : memref<1x128xi32, #tpu.memory_space<vmem>> -> memref<128xi32, #tpu.memory_space<vmem>>
      %dma_wait3A_168 = arith.constant 0 : i32
      %dma_wait3A_169 = arith.constant 0 : i32
      %dma_wait3A_170 = tpu.memref_slice %arg2[%dma_wait3A_168, %dma_wait3A_169] : memref<10000x128xf32, #tpu.memory_space<hbm>> -> memref<10000x128xf32, #tpu.memory_space<hbm>>
      tpu.wait_indirect_dma semaphore(%arg14 : memref<!tpu.dma_semaphore, #tpu.memory_space<semaphore_mem>>) src(%dma_wait3A_170 : memref<10000x128xf32, #tpu.memory_space<hbm>>) dst(%arg11 : memref<128x128xf32, #tpu.memory_space<vmem>>)
      %dma_wait3A_171 = arith.constant 1 : i32
      %dma_wait3A_172 = arith.constant 0 : i32
      %dma_wait3A_173 = tpu.memref_slice %arg3[%dma_wait3A_171, %dma_wait3A_172] : memref<2x320000xi32, #tpu.memory_space<hbm>> -> memref<1x128xi32, #tpu.memory_space<hbm>>
      %dma_wait3A_174 = arith.constant 1 : i32
      %dma_wait3A_175 = arith.constant 0 : i32
      %dma_wait3A_176 = tpu.memref_slice %arg3[%dma_wait3A_174, %dma_wait3A_175] : memref<2x320000xi32, #tpu.memory_space<hbm>> -> memref<1x128xi32, #tpu.memory_space<hbm>>
      tpu.wait_dma2 semaphore(%arg23 : memref<!tpu.dma_semaphore, #tpu.memory_space<semaphore_mem>>) src(%dma_wait3A_176 : memref<1x128xi32, #tpu.memory_space<hbm>>) dst(%arg8 : memref<1x128xi32, #tpu.memory_space<vmem>>)
      %dma_start3A_177 = arith.constant 0 : i32
      %dma_start3A_178 = arith.constant 0 : i32
      %dma_start3A_179 = tpu.memref_slice %arg8[%dma_start3A_177, %dma_start3A_178] : memref<1x128xi32, #tpu.memory_space<vmem>> -> memref<1x128xi32, #tpu.memory_space<vmem>>
      %dma_start3A_180 = tpu.memref_squeeze %dma_start3A_179 : memref<1x128xi32, #tpu.memory_space<vmem>> -> memref<128xi32, #tpu.memory_space<vmem>>
      %dma_start3A_181 = arith.constant 0 : i32
      %dma_start3A_182 = arith.constant 0 : i32
      %dma_start3A_183 = tpu.memref_slice %arg26[%dma_start3A_181, %dma_start3A_182] : memref<10112x128xf32, #tpu.memory_space<vmem_shared>> -> memref<10112x128xf32, #tpu.memory_space<vmem_shared>>
      tpu.enqueue_indirect_dma source(%arg11 : memref<128x128xf32, #tpu.memory_space<vmem>>) target(%dma_start3A_183 : memref<10112x128xf32, #tpu.memory_space<vmem_shared>>) offsets(%dma_start3A_180 : memref<128xi32, #tpu.memory_space<vmem>>) semaphore(%arg17 : memref<!tpu.dma_semaphore, #tpu.memory_space<semaphore_mem>>) {add = true}
      %add3A_184 = arith.constant 3 : i32
      %add3A_185 = arith.addi %mul3A_163, %add3A_184 : i32
      %lt3A_186 = arith.cmpi slt, %add3A_185, %add3A_4 : i32
      %convert_element_type3A_187 = arith.extui %lt3A_186 : i1 to i32
      %cond3A_188 = arith.constant 0 : i32
      %cond3A_189 = arith.cmpi ne, %convert_element_type3A_187, %cond3A_188 : i32
      scf.if %cond3A_189 {
        %add3A_264 = arith.constant 3 : i32
        %add3A_265 = arith.addi %mul3A_163, %add3A_264 : i32
        %mul3A_266 = arith.constant 32 : i32
        %mul3A_267 = arith.muli %add3A_265, %mul3A_266 : i32
        %add3A_268 = arith.addi %mul3A_267, %add3A : i32
        %mul3A_269 = arith.constant 128 : i32
        %mul3A_270 = arith.muli %add3A_268, %mul3A_269 : i32
        %multiple_of3A_271 = tpu.assume_multiple %mul3A_270, 128 : i32
        %dma_start3A_272 = arith.constant 0 : i32
        %dma_start3A_273 = tpu.memref_slice %arg3[%dma_start3A_272, %multiple_of3A_271] : memref<2x320000xi32, #tpu.memory_space<hbm>> -> memref<1x128xi32, #tpu.memory_space<hbm>>
        %dma_start3A_274 = arith.constant 0 : i32
        %dma_start3A_275 = tpu.memref_slice %arg3[%dma_start3A_274, %multiple_of3A_271] : memref<2x320000xi32, #tpu.memory_space<hbm>> -> memref<1x128xi32, #tpu.memory_space<hbm>>
        tpu.enqueue_dma source(%dma_start3A_275 : memref<1x128xi32, #tpu.memory_space<hbm>>) target(%arg5 : memref<1x128xi32, #tpu.memory_space<vmem>>) target_semaphore(%arg20 : memref<!tpu.dma_semaphore, #tpu.memory_space<semaphore_mem>>)
      } else {
      }
      %add3A_190 = arith.constant 2 : i32
      %add3A_191 = arith.addi %mul3A_163, %add3A_190 : i32
      %lt3A_192 = arith.cmpi slt, %add3A_191, %add3A_4 : i32
      %convert_element_type3A_193 = arith.extui %lt3A_192 : i1 to i32
      %cond3A_194 = arith.constant 0 : i32
      %cond3A_195 = arith.cmpi ne, %convert_element_type3A_193, %cond3A_194 : i32
      scf.if %cond3A_195 {
        %ge3A = arith.constant 1 : i32
        %ge3A_264 = arith.cmpi sge, %mul3A_163, %ge3A : i32
        %convert_element_type3A_265 = arith.extui %ge3A_264 : i1 to i32
        %cond3A_266 = arith.constant 0 : i32
        %cond3A_267 = arith.cmpi ne, %convert_element_type3A_265, %cond3A_266 : i32
        scf.if %cond3A_267 {
          %dma_wait3A_293 = arith.constant 0 : i32
          %dma_wait3A_294 = arith.constant 0 : i32
          %dma_wait3A_295 = tpu.memref_slice %arg10[%dma_wait3A_293, %dma_wait3A_294] : memref<1x128xi32, #tpu.memory_space<vmem>> -> memref<1x128xi32, #tpu.memory_space<vmem>>
          %dma_wait3A_296 = tpu.memref_squeeze %dma_wait3A_295 : memref<1x128xi32, #tpu.memory_space<vmem>> -> memref<128xi32, #tpu.memory_space<vmem>>
          %dma_wait3A_297 = arith.constant 0 : i32
          %dma_wait3A_298 = arith.constant 0 : i32
          %dma_wait3A_299 = tpu.memref_slice %arg26[%dma_wait3A_297, %dma_wait3A_298] : memref<10112x128xf32, #tpu.memory_space<vmem_shared>> -> memref<10112x128xf32, #tpu.memory_space<vmem_shared>>
          tpu.wait_indirect_dma semaphore(%arg19 : memref<!tpu.dma_semaphore, #tpu.memory_space<semaphore_mem>>) src(%arg13 : memref<128x128xf32, #tpu.memory_space<vmem>>) dst(%dma_wait3A_299 : memref<10112x128xf32, #tpu.memory_space<vmem_shared>>)
        } else {
        }
        %add3A_268 = arith.constant 2 : i32
        %add3A_269 = arith.addi %mul3A_163, %add3A_268 : i32
        %mul3A_270 = arith.constant 32 : i32
        %mul3A_271 = arith.muli %add3A_269, %mul3A_270 : i32
        %add3A_272 = arith.addi %mul3A_271, %add3A : i32
        %mul3A_273 = arith.constant 128 : i32
        %mul3A_274 = arith.muli %add3A_272, %mul3A_273 : i32
        %multiple_of3A_275 = tpu.assume_multiple %mul3A_274, 128 : i32
        %dma_start3A_276 = arith.constant 1 : i32
        %dma_start3A_277 = tpu.memref_slice %arg3[%dma_start3A_276, %multiple_of3A_275] : memref<2x320000xi32, #tpu.memory_space<hbm>> -> memref<1x128xi32, #tpu.memory_space<hbm>>
        %dma_start3A_278 = arith.constant 1 : i32
        %dma_start3A_279 = tpu.memref_slice %arg3[%dma_start3A_278, %multiple_of3A_275] : memref<2x320000xi32, #tpu.memory_space<hbm>> -> memref<1x128xi32, #tpu.memory_space<hbm>>
        tpu.enqueue_dma source(%dma_start3A_279 : memref<1x128xi32, #tpu.memory_space<hbm>>) target(%arg10 : memref<1x128xi32, #tpu.memory_space<vmem>>) target_semaphore(%arg25 : memref<!tpu.dma_semaphore, #tpu.memory_space<semaphore_mem>>)
        %dma_wait3A_280 = arith.constant 0 : i32
        %dma_wait3A_281 = arith.constant 0 : i32
        %dma_wait3A_282 = tpu.memref_slice %arg3[%dma_wait3A_280, %dma_wait3A_281] : memref<2x320000xi32, #tpu.memory_space<hbm>> -> memref<1x128xi32, #tpu.memory_space<hbm>>
        %dma_wait3A_283 = arith.constant 0 : i32
        %dma_wait3A_284 = arith.constant 0 : i32
        %dma_wait3A_285 = tpu.memref_slice %arg3[%dma_wait3A_283, %dma_wait3A_284] : memref<2x320000xi32, #tpu.memory_space<hbm>> -> memref<1x128xi32, #tpu.memory_space<hbm>>
        tpu.wait_dma2 semaphore(%arg22 : memref<!tpu.dma_semaphore, #tpu.memory_space<semaphore_mem>>) src(%dma_wait3A_285 : memref<1x128xi32, #tpu.memory_space<hbm>>) dst(%arg7 : memref<1x128xi32, #tpu.memory_space<vmem>>)
        %dma_start3A_286 = arith.constant 0 : i32
        %dma_start3A_287 = arith.constant 0 : i32
        %dma_start3A_288 = tpu.memref_slice %arg7[%dma_start3A_286, %dma_start3A_287] : memref<1x128xi32, #tpu.memory_space<vmem>> -> memref<1x128xi32, #tpu.memory_space<vmem>>
        %dma_start3A_289 = tpu.memref_squeeze %dma_start3A_288 : memref<1x128xi32, #tpu.memory_space<vmem>> -> memref<128xi32, #tpu.memory_space<vmem>>
        %dma_start3A_290 = arith.constant 0 : i32
        %dma_start3A_291 = arith.constant 0 : i32
        %dma_start3A_292 = tpu.memref_slice %arg2[%dma_start3A_290, %dma_start3A_291] : memref<10000x128xf32, #tpu.memory_space<hbm>> -> memref<10000x128xf32, #tpu.memory_space<hbm>>
        tpu.enqueue_indirect_dma source(%dma_start3A_292 : memref<10000x128xf32, #tpu.memory_space<hbm>>) target(%arg13 : memref<128x128xf32, #tpu.memory_space<vmem>>) offsets(%dma_start3A_289 : memref<128xi32, #tpu.memory_space<vmem>>) semaphore(%arg16 : memref<!tpu.dma_semaphore, #tpu.memory_space<semaphore_mem>>)
      } else {
      }
      %add3A_196 = arith.constant 1 : i32
      %add3A_197 = arith.addi %mul3A_163, %add3A_196 : i32
      %dma_wait3A_198 = arith.constant 0 : i32
      %dma_wait3A_199 = arith.constant 0 : i32
      %dma_wait3A_200 = tpu.memref_slice %arg6[%dma_wait3A_198, %dma_wait3A_199] : memref<1x128xi32, #tpu.memory_space<vmem>> -> memref<1x128xi32, #tpu.memory_space<vmem>>
      %dma_wait3A_201 = tpu.memref_squeeze %dma_wait3A_200 : memref<1x128xi32, #tpu.memory_space<vmem>> -> memref<128xi32, #tpu.memory_space<vmem>>
      %dma_wait3A_202 = arith.constant 0 : i32
      %dma_wait3A_203 = arith.constant 0 : i32
      %dma_wait3A_204 = tpu.memref_slice %arg2[%dma_wait3A_202, %dma_wait3A_203] : memref<10000x128xf32, #tpu.memory_space<hbm>> -> memref<10000x128xf32, #tpu.memory_space<hbm>>
      tpu.wait_indirect_dma semaphore(%arg15 : memref<!tpu.dma_semaphore, #tpu.memory_space<semaphore_mem>>) src(%dma_wait3A_204 : memref<10000x128xf32, #tpu.memory_space<hbm>>) dst(%arg12 : memref<128x128xf32, #tpu.memory_space<vmem>>)
      %dma_wait3A_205 = arith.constant 1 : i32
      %dma_wait3A_206 = arith.constant 0 : i32
      %dma_wait3A_207 = tpu.memref_slice %arg3[%dma_wait3A_205, %dma_wait3A_206] : memref<2x320000xi32, #tpu.memory_space<hbm>> -> memref<1x128xi32, #tpu.memory_space<hbm>>
      %dma_wait3A_208 = arith.constant 1 : i32
      %dma_wait3A_209 = arith.constant 0 : i32
      %dma_wait3A_210 = tpu.memref_slice %arg3[%dma_wait3A_208, %dma_wait3A_209] : memref<2x320000xi32, #tpu.memory_space<hbm>> -> memref<1x128xi32, #tpu.memory_space<hbm>>
      tpu.wait_dma2 semaphore(%arg24 : memref<!tpu.dma_semaphore, #tpu.memory_space<semaphore_mem>>) src(%dma_wait3A_210 : memref<1x128xi32, #tpu.memory_space<hbm>>) dst(%arg9 : memref<1x128xi32, #tpu.memory_space<vmem>>)
      %dma_start3A_211 = arith.constant 0 : i32
      %dma_start3A_212 = arith.constant 0 : i32
      %dma_start3A_213 = tpu.memref_slice %arg9[%dma_start3A_211, %dma_start3A_212] : memref<1x128xi32, #tpu.memory_space<vmem>> -> memref<1x128xi32, #tpu.memory_space<vmem>>
      %dma_start3A_214 = tpu.memref_squeeze %dma_start3A_213 : memref<1x128xi32, #tpu.memory_space<vmem>> -> memref<128xi32, #tpu.memory_space<vmem>>
      %dma_start3A_215 = arith.constant 0 : i32
      %dma_start3A_216 = arith.constant 0 : i32
      %dma_start3A_217 = tpu.memref_slice %arg26[%dma_start3A_215, %dma_start3A_216] : memref<10112x128xf32, #tpu.memory_space<vmem_shared>> -> memref<10112x128xf32, #tpu.memory_space<vmem_shared>>
      tpu.enqueue_indirect_dma source(%arg12 : memref<128x128xf32, #tpu.memory_space<vmem>>) target(%dma_start3A_217 : memref<10112x128xf32, #tpu.memory_space<vmem_shared>>) offsets(%dma_start3A_214 : memref<128xi32, #tpu.memory_space<vmem>>) semaphore(%arg18 : memref<!tpu.dma_semaphore, #tpu.memory_space<semaphore_mem>>) {add = true}
      %add3A_218 = arith.constant 3 : i32
      %add3A_219 = arith.addi %add3A_197, %add3A_218 : i32
      %lt3A_220 = arith.cmpi slt, %add3A_219, %add3A_4 : i32
      %convert_element_type3A_221 = arith.extui %lt3A_220 : i1 to i32
      %cond3A_222 = arith.constant 0 : i32
      %cond3A_223 = arith.cmpi ne, %convert_element_type3A_221, %cond3A_222 : i32
      scf.if %cond3A_223 {
        %add3A_264 = arith.constant 3 : i32
        %add3A_265 = arith.addi %add3A_197, %add3A_264 : i32
        %mul3A_266 = arith.constant 32 : i32
        %mul3A_267 = arith.muli %add3A_265, %mul3A_266 : i32
        %add3A_268 = arith.addi %mul3A_267, %add3A : i32
        %mul3A_269 = arith.constant 128 : i32
        %mul3A_270 = arith.muli %add3A_268, %mul3A_269 : i32
        %multiple_of3A_271 = tpu.assume_multiple %mul3A_270, 128 : i32
        %dma_start3A_272 = arith.constant 0 : i32
        %dma_start3A_273 = tpu.memref_slice %arg3[%dma_start3A_272, %multiple_of3A_271] : memref<2x320000xi32, #tpu.memory_space<hbm>> -> memref<1x128xi32, #tpu.memory_space<hbm>>
        %dma_start3A_274 = arith.constant 0 : i32
        %dma_start3A_275 = tpu.memref_slice %arg3[%dma_start3A_274, %multiple_of3A_271] : memref<2x320000xi32, #tpu.memory_space<hbm>> -> memref<1x128xi32, #tpu.memory_space<hbm>>
        tpu.enqueue_dma source(%dma_start3A_275 : memref<1x128xi32, #tpu.memory_space<hbm>>) target(%arg6 : memref<1x128xi32, #tpu.memory_space<vmem>>) target_semaphore(%arg21 : memref<!tpu.dma_semaphore, #tpu.memory_space<semaphore_mem>>)
      } else {
      }
      %add3A_224 = arith.constant 2 : i32
      %add3A_225 = arith.addi %add3A_197, %add3A_224 : i32
      %lt3A_226 = arith.cmpi slt, %add3A_225, %add3A_4 : i32
      %convert_element_type3A_227 = arith.extui %lt3A_226 : i1 to i32
      %cond3A_228 = arith.constant 0 : i32
      %cond3A_229 = arith.cmpi ne, %convert_element_type3A_227, %cond3A_228 : i32
      scf.if %cond3A_229 {
        %ge3A = arith.constant 1 : i32
        %ge3A_264 = arith.cmpi sge, %add3A_197, %ge3A : i32
        %convert_element_type3A_265 = arith.extui %ge3A_264 : i1 to i32
        %cond3A_266 = arith.constant 0 : i32
        %cond3A_267 = arith.cmpi ne, %convert_element_type3A_265, %cond3A_266 : i32
        scf.if %cond3A_267 {
          %dma_wait3A_293 = arith.constant 0 : i32
          %dma_wait3A_294 = arith.constant 0 : i32
          %dma_wait3A_295 = tpu.memref_slice %arg8[%dma_wait3A_293, %dma_wait3A_294] : memref<1x128xi32, #tpu.memory_space<vmem>> -> memref<1x128xi32, #tpu.memory_space<vmem>>
          %dma_wait3A_296 = tpu.memref_squeeze %dma_wait3A_295 : memref<1x128xi32, #tpu.memory_space<vmem>> -> memref<128xi32, #tpu.memory_space<vmem>>
          %dma_wait3A_297 = arith.constant 0 : i32
          %dma_wait3A_298 = arith.constant 0 : i32
          %dma_wait3A_299 = tpu.memref_slice %arg26[%dma_wait3A_297, %dma_wait3A_298] : memref<10112x128xf32, #tpu.memory_space<vmem_shared>> -> memref<10112x128xf32, #tpu.memory_space<vmem_shared>>
          tpu.wait_indirect_dma semaphore(%arg17 : memref<!tpu.dma_semaphore, #tpu.memory_space<semaphore_mem>>) src(%arg11 : memref<128x128xf32, #tpu.memory_space<vmem>>) dst(%dma_wait3A_299 : memref<10112x128xf32, #tpu.memory_space<vmem_shared>>)
        } else {
        }
        %add3A_268 = arith.constant 2 : i32
        %add3A_269 = arith.addi %add3A_197, %add3A_268 : i32
        %mul3A_270 = arith.constant 32 : i32
        %mul3A_271 = arith.muli %add3A_269, %mul3A_270 : i32
        %add3A_272 = arith.addi %mul3A_271, %add3A : i32
        %mul3A_273 = arith.constant 128 : i32
        %mul3A_274 = arith.muli %add3A_272, %mul3A_273 : i32
        %multiple_of3A_275 = tpu.assume_multiple %mul3A_274, 128 : i32
        %dma_start3A_276 = arith.constant 1 : i32
        %dma_start3A_277 = tpu.memref_slice %arg3[%dma_start3A_276, %multiple_of3A_275] : memref<2x320000xi32, #tpu.memory_space<hbm>> -> memref<1x128xi32, #tpu.memory_space<hbm>>
        %dma_start3A_278 = arith.constant 1 : i32
        %dma_start3A_279 = tpu.memref_slice %arg3[%dma_start3A_278, %multiple_of3A_275] : memref<2x320000xi32, #tpu.memory_space<hbm>> -> memref<1x128xi32, #tpu.memory_space<hbm>>
        tpu.enqueue_dma source(%dma_start3A_279 : memref<1x128xi32, #tpu.memory_space<hbm>>) target(%arg8 : memref<1x128xi32, #tpu.memory_space<vmem>>) target_semaphore(%arg23 : memref<!tpu.dma_semaphore, #tpu.memory_space<semaphore_mem>>)
        %dma_wait3A_280 = arith.constant 0 : i32
        %dma_wait3A_281 = arith.constant 0 : i32
        %dma_wait3A_282 = tpu.memref_slice %arg3[%dma_wait3A_280, %dma_wait3A_281] : memref<2x320000xi32, #tpu.memory_space<hbm>> -> memref<1x128xi32, #tpu.memory_space<hbm>>
        %dma_wait3A_283 = arith.constant 0 : i32
        %dma_wait3A_284 = arith.constant 0 : i32
        %dma_wait3A_285 = tpu.memref_slice %arg3[%dma_wait3A_283, %dma_wait3A_284] : memref<2x320000xi32, #tpu.memory_space<hbm>> -> memref<1x128xi32, #tpu.memory_space<hbm>>
        tpu.wait_dma2 semaphore(%arg20 : memref<!tpu.dma_semaphore, #tpu.memory_space<semaphore_mem>>) src(%dma_wait3A_285 : memref<1x128xi32, #tpu.memory_space<hbm>>) dst(%arg5 : memref<1x128xi32, #tpu.memory_space<vmem>>)
        %dma_start3A_286 = arith.constant 0 : i32
        %dma_start3A_287 = arith.constant 0 : i32
        %dma_start3A_288 = tpu.memref_slice %arg5[%dma_start3A_286, %dma_start3A_287] : memref<1x128xi32, #tpu.memory_space<vmem>> -> memref<1x128xi32, #tpu.memory_space<vmem>>
        %dma_start3A_289 = tpu.memref_squeeze %dma_start3A_288 : memref<1x128xi32, #tpu.memory_space<vmem>> -> memref<128xi32, #tpu.memory_space<vmem>>
        %dma_start3A_290 = arith.constant 0 : i32
        %dma_start3A_291 = arith.constant 0 : i32
        %dma_start3A_292 = tpu.memref_slice %arg2[%dma_start3A_290, %dma_start3A_291] : memref<10000x128xf32, #tpu.memory_space<hbm>> -> memref<10000x128xf32, #tpu.memory_space<hbm>>
        tpu.enqueue_indirect_dma source(%dma_start3A_292 : memref<10000x128xf32, #tpu.memory_space<hbm>>) target(%arg11 : memref<128x128xf32, #tpu.memory_space<vmem>>) offsets(%dma_start3A_289 : memref<128xi32, #tpu.memory_space<vmem>>) semaphore(%arg14 : memref<!tpu.dma_semaphore, #tpu.memory_space<semaphore_mem>>)
      } else {
      }
      %add3A_230 = arith.constant 2 : i32
      %add3A_231 = arith.addi %mul3A_163, %add3A_230 : i32
      %dma_wait3A_232 = arith.constant 0 : i32
      %dma_wait3A_233 = arith.constant 0 : i32
      %dma_wait3A_234 = tpu.memref_slice %arg7[%dma_wait3A_232, %dma_wait3A_233] : memref<1x128xi32, #tpu.memory_space<vmem>> -> memref<1x128xi32, #tpu.memory_space<vmem>>
      %dma_wait3A_235 = tpu.memref_squeeze %dma_wait3A_234 : memref<1x128xi32, #tpu.memory_space<vmem>> -> memref<128xi32, #tpu.memory_space<vmem>>
      %dma_wait3A_236 = arith.constant 0 : i32
      %dma_wait3A_237 = arith.constant 0 : i32
      %dma_wait3A_238 = tpu.memref_slice %arg2[%dma_wait3A_236, %dma_wait3A_237] : memref<10000x128xf32, #tpu.memory_space<hbm>> -> memref<10000x128xf32, #tpu.memory_space<hbm>>
      tpu.wait_indirect_dma semaphore(%arg16 : memref<!tpu.dma_semaphore, #tpu.memory_space<semaphore_mem>>) src(%dma_wait3A_238 : memref<10000x128xf32, #tpu.memory_space<hbm>>) dst(%arg13 : memref<128x128xf32, #tpu.memory_space<vmem>>)
      %dma_wait3A_239 = arith.constant 1 : i32
      %dma_wait3A_240 = arith.constant 0 : i32
      %dma_wait3A_241 = tpu.memref_slice %arg3[%dma_wait3A_239, %dma_wait3A_240] : memref<2x320000xi32, #tpu.memory_space<hbm>> -> memref<1x128xi32, #tpu.memory_space<hbm>>
      %dma_wait3A_242 = arith.constant 1 : i32
      %dma_wait3A_243 = arith.constant 0 : i32
      %dma_wait3A_244 = tpu.memref_slice %arg3[%dma_wait3A_242, %dma_wait3A_243] : memref<2x320000xi32, #tpu.memory_space<hbm>> -> memref<1x128xi32, #tpu.memory_space<hbm>>
      tpu.wait_dma2 semaphore(%arg25 : memref<!tpu.dma_semaphore, #tpu.memory_space<semaphore_mem>>) src(%dma_wait3A_244 : memref<1x128xi32, #tpu.memory_space<hbm>>) dst(%arg10 : memref<1x128xi32, #tpu.memory_space<vmem>>)
      %dma_start3A_245 = arith.constant 0 : i32
      %dma_start3A_246 = arith.constant 0 : i32
      %dma_start3A_247 = tpu.memref_slice %arg10[%dma_start3A_245, %dma_start3A_246] : memref<1x128xi32, #tpu.memory_space<vmem>> -> memref<1x128xi32, #tpu.memory_space<vmem>>
      %dma_start3A_248 = tpu.memref_squeeze %dma_start3A_247 : memref<1x128xi32, #tpu.memory_space<vmem>> -> memref<128xi32, #tpu.memory_space<vmem>>
      %dma_start3A_249 = arith.constant 0 : i32
      %dma_start3A_250 = arith.constant 0 : i32
      %dma_start3A_251 = tpu.memref_slice %arg26[%dma_start3A_249, %dma_start3A_250] : memref<10112x128xf32, #tpu.memory_space<vmem_shared>> -> memref<10112x128xf32, #tpu.memory_space<vmem_shared>>
      tpu.enqueue_indirect_dma source(%arg13 : memref<128x128xf32, #tpu.memory_space<vmem>>) target(%dma_start3A_251 : memref<10112x128xf32, #tpu.memory_space<vmem_shared>>) offsets(%dma_start3A_248 : memref<128xi32, #tpu.memory_space<vmem>>) semaphore(%arg19 : memref<!tpu.dma_semaphore, #tpu.memory_space<semaphore_mem>>) {add = true}
      %add3A_252 = arith.constant 3 : i32
      %add3A_253 = arith.addi %add3A_231, %add3A_252 : i32
      %lt3A_254 = arith.cmpi slt, %add3A_253, %add3A_4 : i32
      %convert_element_type3A_255 = arith.extui %lt3A_254 : i1 to i32
      %cond3A_256 = arith.constant 0 : i32
      %cond3A_257 = arith.cmpi ne, %convert_element_type3A_255, %cond3A_256 : i32
      scf.if %cond3A_257 {
        %add3A_264 = arith.constant 3 : i32
        %add3A_265 = arith.addi %add3A_231, %add3A_264 : i32
        %mul3A_266 = arith.constant 32 : i32
        %mul3A_267 = arith.muli %add3A_265, %mul3A_266 : i32
        %add3A_268 = arith.addi %mul3A_267, %add3A : i32
        %mul3A_269 = arith.constant 128 : i32
        %mul3A_270 = arith.muli %add3A_268, %mul3A_269 : i32
        %multiple_of3A_271 = tpu.assume_multiple %mul3A_270, 128 : i32
        %dma_start3A_272 = arith.constant 0 : i32
        %dma_start3A_273 = tpu.memref_slice %arg3[%dma_start3A_272, %multiple_of3A_271] : memref<2x320000xi32, #tpu.memory_space<hbm>> -> memref<1x128xi32, #tpu.memory_space<hbm>>
        %dma_start3A_274 = arith.constant 0 : i32
        %dma_start3A_275 = tpu.memref_slice %arg3[%dma_start3A_274, %multiple_of3A_271] : memref<2x320000xi32, #tpu.memory_space<hbm>> -> memref<1x128xi32, #tpu.memory_space<hbm>>
        tpu.enqueue_dma source(%dma_start3A_275 : memref<1x128xi32, #tpu.memory_space<hbm>>) target(%arg7 : memref<1x128xi32, #tpu.memory_space<vmem>>) target_semaphore(%arg22 : memref<!tpu.dma_semaphore, #tpu.memory_space<semaphore_mem>>)
      } else {
      }
      %add3A_258 = arith.constant 2 : i32
      %add3A_259 = arith.addi %add3A_231, %add3A_258 : i32
      %lt3A_260 = arith.cmpi slt, %add3A_259, %add3A_4 : i32
      %convert_element_type3A_261 = arith.extui %lt3A_260 : i1 to i32
      %cond3A_262 = arith.constant 0 : i32
      %cond3A_263 = arith.cmpi ne, %convert_element_type3A_261, %cond3A_262 : i32
      scf.if %cond3A_263 {
        %ge3A = arith.constant 1 : i32
        %ge3A_264 = arith.cmpi sge, %add3A_231, %ge3A : i32
        %convert_element_type3A_265 = arith.extui %ge3A_264 : i1 to i32
        %cond3A_266 = arith.constant 0 : i32
        %cond3A_267 = arith.cmpi ne, %convert_element_type3A_265, %cond3A_266 : i32
        scf.if %cond3A_267 {
          %dma_wait3A_293 = arith.constant 0 : i32
          %dma_wait3A_294 = arith.constant 0 : i32
          %dma_wait3A_295 = tpu.memref_slice %arg9[%dma_wait3A_293, %dma_wait3A_294] : memref<1x128xi32, #tpu.memory_space<vmem>> -> memref<1x128xi32, #tpu.memory_space<vmem>>
          %dma_wait3A_296 = tpu.memref_squeeze %dma_wait3A_295 : memref<1x128xi32, #tpu.memory_space<vmem>> -> memref<128xi32, #tpu.memory_space<vmem>>
          %dma_wait3A_297 = arith.constant 0 : i32
          %dma_wait3A_298 = arith.constant 0 : i32
          %dma_wait3A_299 = tpu.memref_slice %arg26[%dma_wait3A_297, %dma_wait3A_298] : memref<10112x128xf32, #tpu.memory_space<vmem_shared>> -> memref<10112x128xf32, #tpu.memory_space<vmem_shared>>
          tpu.wait_indirect_dma semaphore(%arg18 : memref<!tpu.dma_semaphore, #tpu.memory_space<semaphore_mem>>) src(%arg12 : memref<128x128xf32, #tpu.memory_space<vmem>>) dst(%dma_wait3A_299 : memref<10112x128xf32, #tpu.memory_space<vmem_shared>>)
        } else {
        }
        %add3A_268 = arith.constant 2 : i32
        %add3A_269 = arith.addi %add3A_231, %add3A_268 : i32
        %mul3A_270 = arith.constant 32 : i32
        %mul3A_271 = arith.muli %add3A_269, %mul3A_270 : i32
        %add3A_272 = arith.addi %mul3A_271, %add3A : i32
        %mul3A_273 = arith.constant 128 : i32
        %mul3A_274 = arith.muli %add3A_272, %mul3A_273 : i32
        %multiple_of3A_275 = tpu.assume_multiple %mul3A_274, 128 : i32
        %dma_start3A_276 = arith.constant 1 : i32
        %dma_start3A_277 = tpu.memref_slice %arg3[%dma_start3A_276, %multiple_of3A_275] : memref<2x320000xi32, #tpu.memory_space<hbm>> -> memref<1x128xi32, #tpu.memory_space<hbm>>
        %dma_start3A_278 = arith.constant 1 : i32
        %dma_start3A_279 = tpu.memref_slice %arg3[%dma_start3A_278, %multiple_of3A_275] : memref<2x320000xi32, #tpu.memory_space<hbm>> -> memref<1x128xi32, #tpu.memory_space<hbm>>
        tpu.enqueue_dma source(%dma_start3A_279 : memref<1x128xi32, #tpu.memory_space<hbm>>) target(%arg9 : memref<1x128xi32, #tpu.memory_space<vmem>>) target_semaphore(%arg24 : memref<!tpu.dma_semaphore, #tpu.memory_space<semaphore_mem>>)
        %dma_wait3A_280 = arith.constant 0 : i32
        %dma_wait3A_281 = arith.constant 0 : i32
        %dma_wait3A_282 = tpu.memref_slice %arg3[%dma_wait3A_280, %dma_wait3A_281] : memref<2x320000xi32, #tpu.memory_space<hbm>> -> memref<1x128xi32, #tpu.memory_space<hbm>>
        %dma_wait3A_283 = arith.constant 0 : i32
        %dma_wait3A_284 = arith.constant 0 : i32
        %dma_wait3A_285 = tpu.memref_slice %arg3[%dma_wait3A_283, %dma_wait3A_284] : memref<2x320000xi32, #tpu.memory_space<hbm>> -> memref<1x128xi32, #tpu.memory_space<hbm>>
        tpu.wait_dma2 semaphore(%arg21 : memref<!tpu.dma_semaphore, #tpu.memory_space<semaphore_mem>>) src(%dma_wait3A_285 : memref<1x128xi32, #tpu.memory_space<hbm>>) dst(%arg6 : memref<1x128xi32, #tpu.memory_space<vmem>>)
        %dma_start3A_286 = arith.constant 0 : i32
        %dma_start3A_287 = arith.constant 0 : i32
        %dma_start3A_288 = tpu.memref_slice %arg6[%dma_start3A_286, %dma_start3A_287] : memref<1x128xi32, #tpu.memory_space<vmem>> -> memref<1x128xi32, #tpu.memory_space<vmem>>
        %dma_start3A_289 = tpu.memref_squeeze %dma_start3A_288 : memref<1x128xi32, #tpu.memory_space<vmem>> -> memref<128xi32, #tpu.memory_space<vmem>>
        %dma_start3A_290 = arith.constant 0 : i32
        %dma_start3A_291 = arith.constant 0 : i32
        %dma_start3A_292 = tpu.memref_slice %arg2[%dma_start3A_290, %dma_start3A_291] : memref<10000x128xf32, #tpu.memory_space<hbm>> -> memref<10000x128xf32, #tpu.memory_space<hbm>>
        tpu.enqueue_indirect_dma source(%dma_start3A_292 : memref<10000x128xf32, #tpu.memory_space<hbm>>) target(%arg12 : memref<128x128xf32, #tpu.memory_space<vmem>>) offsets(%dma_start3A_289 : memref<128xi32, #tpu.memory_space<vmem>>) semaphore(%arg15 : memref<!tpu.dma_semaphore, #tpu.memory_space<semaphore_mem>>)
      } else {
      }
    }
    %while3A_116 = arith.constant 1 : i32
    scf.for %while3A_161 = %while3A_114 to %while3A_110 step %while3A_116  : i32 {
      %mul3A_162 = arith.constant 3 : i32
      %mul3A_163 = arith.muli %mul3A_162, %while3A_161 : i32
      %dma_wait3A_164 = arith.constant 0 : i32
      %dma_wait3A_165 = arith.constant 0 : i32
      %dma_wait3A_166 = tpu.memref_slice %arg5[%dma_wait3A_164, %dma_wait3A_165] : memref<1x128xi32, #tpu.memory_space<vmem>> -> memref<1x128xi32, #tpu.memory_space<vmem>>
      %dma_wait3A_167 = tpu.memref_squeeze %dma_wait3A_166 : memref<1x128xi32, #tpu.memory_space<vmem>> -> memref<128xi32, #tpu.memory_space<vmem>>
      %dma_wait3A_168 = arith.constant 0 : i32
      %dma_wait3A_169 = arith.constant 0 : i32
      %dma_wait3A_170 = tpu.memref_slice %arg2[%dma_wait3A_168, %dma_wait3A_169] : memref<10000x128xf32, #tpu.memory_space<hbm>> -> memref<10000x128xf32, #tpu.memory_space<hbm>>
      tpu.wait_indirect_dma semaphore(%arg14 : memref<!tpu.dma_semaphore, #tpu.memory_space<semaphore_mem>>) src(%dma_wait3A_170 : memref<10000x128xf32, #tpu.memory_space<hbm>>) dst(%arg11 : memref<128x128xf32, #tpu.memory_space<vmem>>)
      %dma_wait3A_171 = arith.constant 1 : i32
      %dma_wait3A_172 = arith.constant 0 : i32
      %dma_wait3A_173 = tpu.memref_slice %arg3[%dma_wait3A_171, %dma_wait3A_172] : memref<2x320000xi32, #tpu.memory_space<hbm>> -> memref<1x128xi32, #tpu.memory_space<hbm>>
      %dma_wait3A_174 = arith.constant 1 : i32
      %dma_wait3A_175 = arith.constant 0 : i32
      %dma_wait3A_176 = tpu.memref_slice %arg3[%dma_wait3A_174, %dma_wait3A_175] : memref<2x320000xi32, #tpu.memory_space<hbm>> -> memref<1x128xi32, #tpu.memory_space<hbm>>
      tpu.wait_dma2 semaphore(%arg23 : memref<!tpu.dma_semaphore, #tpu.memory_space<semaphore_mem>>) src(%dma_wait3A_176 : memref<1x128xi32, #tpu.memory_space<hbm>>) dst(%arg8 : memref<1x128xi32, #tpu.memory_space<vmem>>)
      %dma_start3A_177 = arith.constant 0 : i32
      %dma_start3A_178 = arith.constant 0 : i32
      %dma_start3A_179 = tpu.memref_slice %arg8[%dma_start3A_177, %dma_start3A_178] : memref<1x128xi32, #tpu.memory_space<vmem>> -> memref<1x128xi32, #tpu.memory_space<vmem>>
      %dma_start3A_180 = tpu.memref_squeeze %dma_start3A_179 : memref<1x128xi32, #tpu.memory_space<vmem>> -> memref<128xi32, #tpu.memory_space<vmem>>
      %dma_start3A_181 = arith.constant 0 : i32
      %dma_start3A_182 = arith.constant 0 : i32
      %dma_start3A_183 = tpu.memref_slice %arg26[%dma_start3A_181, %dma_start3A_182] : memref<10112x128xf32, #tpu.memory_space<vmem_shared>> -> memref<10112x128xf32, #tpu.memory_space<vmem_shared>>
      tpu.enqueue_indirect_dma source(%arg11 : memref<128x128xf32, #tpu.memory_space<vmem>>) target(%dma_start3A_183 : memref<10112x128xf32, #tpu.memory_space<vmem_shared>>) offsets(%dma_start3A_180 : memref<128xi32, #tpu.memory_space<vmem>>) semaphore(%arg17 : memref<!tpu.dma_semaphore, #tpu.memory_space<semaphore_mem>>) {add = true}
      %add3A_184 = arith.constant 3 : i32
      %add3A_185 = arith.addi %mul3A_163, %add3A_184 : i32
      %lt3A_186 = arith.cmpi slt, %add3A_185, %add3A_4 : i32
      %convert_element_type3A_187 = arith.extui %lt3A_186 : i1 to i32
      %cond3A_188 = arith.constant 0 : i32
      %cond3A_189 = arith.cmpi ne, %convert_element_type3A_187, %cond3A_188 : i32
      scf.if %cond3A_189 {
        %add3A_264 = arith.constant 3 : i32
        %add3A_265 = arith.addi %mul3A_163, %add3A_264 : i32
        %mul3A_266 = arith.constant 32 : i32
        %mul3A_267 = arith.muli %add3A_265, %mul3A_266 : i32
        %add3A_268 = arith.addi %mul3A_267, %add3A : i32
        %mul3A_269 = arith.constant 128 : i32
        %mul3A_270 = arith.muli %add3A_268, %mul3A_269 : i32
        %multiple_of3A_271 = tpu.assume_multiple %mul3A_270, 128 : i32
        %dma_start3A_272 = arith.constant 0 : i32
        %dma_start3A_273 = tpu.memref_slice %arg3[%dma_start3A_272, %multiple_of3A_271] : memref<2x320000xi32, #tpu.memory_space<hbm>> -> memref<1x128xi32, #tpu.memory_space<hbm>>
        %dma_start3A_274 = arith.constant 0 : i32
        %dma_start3A_275 = tpu.memref_slice %arg3[%dma_start3A_274, %multiple_of3A_271] : memref<2x320000xi32, #tpu.memory_space<hbm>> -> memref<1x128xi32, #tpu.memory_space<hbm>>
        tpu.enqueue_dma source(%dma_start3A_275 : memref<1x128xi32, #tpu.memory_space<hbm>>) target(%arg5 : memref<1x128xi32, #tpu.memory_space<vmem>>) target_semaphore(%arg20 : memref<!tpu.dma_semaphore, #tpu.memory_space<semaphore_mem>>)
      } else {
      }
      %add3A_190 = arith.constant 2 : i32
      %add3A_191 = arith.addi %mul3A_163, %add3A_190 : i32
      %lt3A_192 = arith.cmpi slt, %add3A_191, %add3A_4 : i32
      %convert_element_type3A_193 = arith.extui %lt3A_192 : i1 to i32
      %cond3A_194 = arith.constant 0 : i32
      %cond3A_195 = arith.cmpi ne, %convert_element_type3A_193, %cond3A_194 : i32
      scf.if %cond3A_195 {
        %ge3A = arith.constant 1 : i32
        %ge3A_264 = arith.cmpi sge, %mul3A_163, %ge3A : i32
        %convert_element_type3A_265 = arith.extui %ge3A_264 : i1 to i32
        %cond3A_266 = arith.constant 0 : i32
        %cond3A_267 = arith.cmpi ne, %convert_element_type3A_265, %cond3A_266 : i32
        scf.if %cond3A_267 {
          %dma_wait3A_293 = arith.constant 0 : i32
          %dma_wait3A_294 = arith.constant 0 : i32
          %dma_wait3A_295 = tpu.memref_slice %arg10[%dma_wait3A_293, %dma_wait3A_294] : memref<1x128xi32, #tpu.memory_space<vmem>> -> memref<1x128xi32, #tpu.memory_space<vmem>>
          %dma_wait3A_296 = tpu.memref_squeeze %dma_wait3A_295 : memref<1x128xi32, #tpu.memory_space<vmem>> -> memref<128xi32, #tpu.memory_space<vmem>>
          %dma_wait3A_297 = arith.constant 0 : i32
          %dma_wait3A_298 = arith.constant 0 : i32
          %dma_wait3A_299 = tpu.memref_slice %arg26[%dma_wait3A_297, %dma_wait3A_298] : memref<10112x128xf32, #tpu.memory_space<vmem_shared>> -> memref<10112x128xf32, #tpu.memory_space<vmem_shared>>
          tpu.wait_indirect_dma semaphore(%arg19 : memref<!tpu.dma_semaphore, #tpu.memory_space<semaphore_mem>>) src(%arg13 : memref<128x128xf32, #tpu.memory_space<vmem>>) dst(%dma_wait3A_299 : memref<10112x128xf32, #tpu.memory_space<vmem_shared>>)
        } else {
        }
        %add3A_268 = arith.constant 2 : i32
        %add3A_269 = arith.addi %mul3A_163, %add3A_268 : i32
        %mul3A_270 = arith.constant 32 : i32
        %mul3A_271 = arith.muli %add3A_269, %mul3A_270 : i32
        %add3A_272 = arith.addi %mul3A_271, %add3A : i32
        %mul3A_273 = arith.constant 128 : i32
        %mul3A_274 = arith.muli %add3A_272, %mul3A_273 : i32
        %multiple_of3A_275 = tpu.assume_multiple %mul3A_274, 128 : i32
        %dma_start3A_276 = arith.constant 1 : i32
        %dma_start3A_277 = tpu.memref_slice %arg3[%dma_start3A_276, %multiple_of3A_275] : memref<2x320000xi32, #tpu.memory_space<hbm>> -> memref<1x128xi32, #tpu.memory_space<hbm>>
        %dma_start3A_278 = arith.constant 1 : i32
        %dma_start3A_279 = tpu.memref_slice %arg3[%dma_start3A_278, %multiple_of3A_275] : memref<2x320000xi32, #tpu.memory_space<hbm>> -> memref<1x128xi32, #tpu.memory_space<hbm>>
        tpu.enqueue_dma source(%dma_start3A_279 : memref<1x128xi32, #tpu.memory_space<hbm>>) target(%arg10 : memref<1x128xi32, #tpu.memory_space<vmem>>) target_semaphore(%arg25 : memref<!tpu.dma_semaphore, #tpu.memory_space<semaphore_mem>>)
        %dma_wait3A_280 = arith.constant 0 : i32
        %dma_wait3A_281 = arith.constant 0 : i32
        %dma_wait3A_282 = tpu.memref_slice %arg3[%dma_wait3A_280, %dma_wait3A_281] : memref<2x320000xi32, #tpu.memory_space<hbm>> -> memref<1x128xi32, #tpu.memory_space<hbm>>
        %dma_wait3A_283 = arith.constant 0 : i32
        %dma_wait3A_284 = arith.constant 0 : i32
        %dma_wait3A_285 = tpu.memref_slice %arg3[%dma_wait3A_283, %dma_wait3A_284] : memref<2x320000xi32, #tpu.memory_space<hbm>> -> memref<1x128xi32, #tpu.memory_space<hbm>>
        tpu.wait_dma2 semaphore(%arg22 : memref<!tpu.dma_semaphore, #tpu.memory_space<semaphore_mem>>) src(%dma_wait3A_285 : memref<1x128xi32, #tpu.memory_space<hbm>>) dst(%arg7 : memref<1x128xi32, #tpu.memory_space<vmem>>)
        %dma_start3A_286 = arith.constant 0 : i32
        %dma_start3A_287 = arith.constant 0 : i32
        %dma_start3A_288 = tpu.memref_slice %arg7[%dma_start3A_286, %dma_start3A_287] : memref<1x128xi32, #tpu.memory_space<vmem>> -> memref<1x128xi32, #tpu.memory_space<vmem>>
        %dma_start3A_289 = tpu.memref_squeeze %dma_start3A_288 : memref<1x128xi32, #tpu.memory_space<vmem>> -> memref<128xi32, #tpu.memory_space<vmem>>
        %dma_start3A_290 = arith.constant 0 : i32
        %dma_start3A_291 = arith.constant 0 : i32
        %dma_start3A_292 = tpu.memref_slice %arg2[%dma_start3A_290, %dma_start3A_291] : memref<10000x128xf32, #tpu.memory_space<hbm>> -> memref<10000x128xf32, #tpu.memory_space<hbm>>
        tpu.enqueue_indirect_dma source(%dma_start3A_292 : memref<10000x128xf32, #tpu.memory_space<hbm>>) target(%arg13 : memref<128x128xf32, #tpu.memory_space<vmem>>) offsets(%dma_start3A_289 : memref<128xi32, #tpu.memory_space<vmem>>) semaphore(%arg16 : memref<!tpu.dma_semaphore, #tpu.memory_space<semaphore_mem>>)
      } else {
      }
      %add3A_196 = arith.constant 1 : i32
      %add3A_197 = arith.addi %mul3A_163, %add3A_196 : i32
      %dma_wait3A_198 = arith.constant 0 : i32
      %dma_wait3A_199 = arith.constant 0 : i32
      %dma_wait3A_200 = tpu.memref_slice %arg6[%dma_wait3A_198, %dma_wait3A_199] : memref<1x128xi32, #tpu.memory_space<vmem>> -> memref<1x128xi32, #tpu.memory_space<vmem>>
      %dma_wait3A_201 = tpu.memref_squeeze %dma_wait3A_200 : memref<1x128xi32, #tpu.memory_space<vmem>> -> memref<128xi32, #tpu.memory_space<vmem>>
      %dma_wait3A_202 = arith.constant 0 : i32
      %dma_wait3A_203 = arith.constant 0 : i32
      %dma_wait3A_204 = tpu.memref_slice %arg2[%dma_wait3A_202, %dma_wait3A_203] : memref<10000x128xf32, #tpu.memory_space<hbm>> -> memref<10000x128xf32, #tpu.memory_space<hbm>>
      tpu.wait_indirect_dma semaphore(%arg15 : memref<!tpu.dma_semaphore, #tpu.memory_space<semaphore_mem>>) src(%dma_wait3A_204 : memref<10000x128xf32, #tpu.memory_space<hbm>>) dst(%arg12 : memref<128x128xf32, #tpu.memory_space<vmem>>)
      %dma_wait3A_205 = arith.constant 1 : i32
      %dma_wait3A_206 = arith.constant 0 : i32
      %dma_wait3A_207 = tpu.memref_slice %arg3[%dma_wait3A_205, %dma_wait3A_206] : memref<2x320000xi32, #tpu.memory_space<hbm>> -> memref<1x128xi32, #tpu.memory_space<hbm>>
      %dma_wait3A_208 = arith.constant 1 : i32
      %dma_wait3A_209 = arith.constant 0 : i32
      %dma_wait3A_210 = tpu.memref_slice %arg3[%dma_wait3A_208, %dma_wait3A_209] : memref<2x320000xi32, #tpu.memory_space<hbm>> -> memref<1x128xi32, #tpu.memory_space<hbm>>
      tpu.wait_dma2 semaphore(%arg24 : memref<!tpu.dma_semaphore, #tpu.memory_space<semaphore_mem>>) src(%dma_wait3A_210 : memref<1x128xi32, #tpu.memory_space<hbm>>) dst(%arg9 : memref<1x128xi32, #tpu.memory_space<vmem>>)
      %dma_start3A_211 = arith.constant 0 : i32
      %dma_start3A_212 = arith.constant 0 : i32
      %dma_start3A_213 = tpu.memref_slice %arg9[%dma_start3A_211, %dma_start3A_212] : memref<1x128xi32, #tpu.memory_space<vmem>> -> memref<1x128xi32, #tpu.memory_space<vmem>>
      %dma_start3A_214 = tpu.memref_squeeze %dma_start3A_213 : memref<1x128xi32, #tpu.memory_space<vmem>> -> memref<128xi32, #tpu.memory_space<vmem>>
      %dma_start3A_215 = arith.constant 0 : i32
      %dma_start3A_216 = arith.constant 0 : i32
      %dma_start3A_217 = tpu.memref_slice %arg26[%dma_start3A_215, %dma_start3A_216] : memref<10112x128xf32, #tpu.memory_space<vmem_shared>> -> memref<10112x128xf32, #tpu.memory_space<vmem_shared>>
      tpu.enqueue_indirect_dma source(%arg12 : memref<128x128xf32, #tpu.memory_space<vmem>>) target(%dma_start3A_217 : memref<10112x128xf32, #tpu.memory_space<vmem_shared>>) offsets(%dma_start3A_214 : memref<128xi32, #tpu.memory_space<vmem>>) semaphore(%arg18 : memref<!tpu.dma_semaphore, #tpu.memory_space<semaphore_mem>>) {add = true}
      %add3A_218 = arith.constant 3 : i32
      %add3A_219 = arith.addi %add3A_197, %add3A_218 : i32
      %lt3A_220 = arith.cmpi slt, %add3A_219, %add3A_4 : i32
      %convert_element_type3A_221 = arith.extui %lt3A_220 : i1 to i32
      %cond3A_222 = arith.constant 0 : i32
      %cond3A_223 = arith.cmpi ne, %convert_element_type3A_221, %cond3A_222 : i32
      scf.if %cond3A_223 {
        %add3A_264 = arith.constant 3 : i32
        %add3A_265 = arith.addi %add3A_197, %add3A_264 : i32
        %mul3A_266 = arith.constant 32 : i32
        %mul3A_267 = arith.muli %add3A_265, %mul3A_266 : i32
        %add3A_268 = arith.addi %mul3A_267, %add3A : i32
        %mul3A_269 = arith.constant 128 : i32
        %mul3A_270 = arith.muli %add3A_268, %mul3A_269 : i32
        %multiple_of3A_271 = tpu.assume_multiple %mul3A_270, 128 : i32
        %dma_start3A_272 = arith.constant 0 : i32
        %dma_start3A_273 = tpu.memref_slice %arg3[%dma_start3A_272, %multiple_of3A_271] : memref<2x320000xi32, #tpu.memory_space<hbm>> -> memref<1x128xi32, #tpu.memory_space<hbm>>
        %dma_start3A_274 = arith.constant 0 : i32
        %dma_start3A_275 = tpu.memref_slice %arg3[%dma_start3A_274, %multiple_of3A_271] : memref<2x320000xi32, #tpu.memory_space<hbm>> -> memref<1x128xi32, #tpu.memory_space<hbm>>
        tpu.enqueue_dma source(%dma_start3A_275 : memref<1x128xi32, #tpu.memory_space<hbm>>) target(%arg6 : memref<1x128xi32, #tpu.memory_space<vmem>>) target_semaphore(%arg21 : memref<!tpu.dma_semaphore, #tpu.memory_space<semaphore_mem>>)
      } else {
      }
      %add3A_224 = arith.constant 2 : i32
      %add3A_225 = arith.addi %add3A_197, %add3A_224 : i32
      %lt3A_226 = arith.cmpi slt, %add3A_225, %add3A_4 : i32
      %convert_element_type3A_227 = arith.extui %lt3A_226 : i1 to i32
      %cond3A_228 = arith.constant 0 : i32
      %cond3A_229 = arith.cmpi ne, %convert_element_type3A_227, %cond3A_228 : i32
      scf.if %cond3A_229 {
        %ge3A = arith.constant 1 : i32
        %ge3A_264 = arith.cmpi sge, %add3A_197, %ge3A : i32
        %convert_element_type3A_265 = arith.extui %ge3A_264 : i1 to i32
        %cond3A_266 = arith.constant 0 : i32
        %cond3A_267 = arith.cmpi ne, %convert_element_type3A_265, %cond3A_266 : i32
        scf.if %cond3A_267 {
          %dma_wait3A_293 = arith.constant 0 : i32
          %dma_wait3A_294 = arith.constant 0 : i32
          %dma_wait3A_295 = tpu.memref_slice %arg8[%dma_wait3A_293, %dma_wait3A_294] : memref<1x128xi32, #tpu.memory_space<vmem>> -> memref<1x128xi32, #tpu.memory_space<vmem>>
          %dma_wait3A_296 = tpu.memref_squeeze %dma_wait3A_295 : memref<1x128xi32, #tpu.memory_space<vmem>> -> memref<128xi32, #tpu.memory_space<vmem>>
          %dma_wait3A_297 = arith.constant 0 : i32
          %dma_wait3A_298 = arith.constant 0 : i32
          %dma_wait3A_299 = tpu.memref_slice %arg26[%dma_wait3A_297, %dma_wait3A_298] : memref<10112x128xf32, #tpu.memory_space<vmem_shared>> -> memref<10112x128xf32, #tpu.memory_space<vmem_shared>>
          tpu.wait_indirect_dma semaphore(%arg17 : memref<!tpu.dma_semaphore, #tpu.memory_space<semaphore_mem>>) src(%arg11 : memref<128x128xf32, #tpu.memory_space<vmem>>) dst(%dma_wait3A_299 : memref<10112x128xf32, #tpu.memory_space<vmem_shared>>)
        } else {
        }
        %add3A_268 = arith.constant 2 : i32
        %add3A_269 = arith.addi %add3A_197, %add3A_268 : i32
        %mul3A_270 = arith.constant 32 : i32
        %mul3A_271 = arith.muli %add3A_269, %mul3A_270 : i32
        %add3A_272 = arith.addi %mul3A_271, %add3A : i32
        %mul3A_273 = arith.constant 128 : i32
        %mul3A_274 = arith.muli %add3A_272, %mul3A_273 : i32
        %multiple_of3A_275 = tpu.assume_multiple %mul3A_274, 128 : i32
        %dma_start3A_276 = arith.constant 1 : i32
        %dma_start3A_277 = tpu.memref_slice %arg3[%dma_start3A_276, %multiple_of3A_275] : memref<2x320000xi32, #tpu.memory_space<hbm>> -> memref<1x128xi32, #tpu.memory_space<hbm>>
        %dma_start3A_278 = arith.constant 1 : i32
        %dma_start3A_279 = tpu.memref_slice %arg3[%dma_start3A_278, %multiple_of3A_275] : memref<2x320000xi32, #tpu.memory_space<hbm>> -> memref<1x128xi32, #tpu.memory_space<hbm>>
        tpu.enqueue_dma source(%dma_start3A_279 : memref<1x128xi32, #tpu.memory_space<hbm>>) target(%arg8 : memref<1x128xi32, #tpu.memory_space<vmem>>) target_semaphore(%arg23 : memref<!tpu.dma_semaphore, #tpu.memory_space<semaphore_mem>>)
        %dma_wait3A_280 = arith.constant 0 : i32
        %dma_wait3A_281 = arith.constant 0 : i32
        %dma_wait3A_282 = tpu.memref_slice %arg3[%dma_wait3A_280, %dma_wait3A_281] : memref<2x320000xi32, #tpu.memory_space<hbm>> -> memref<1x128xi32, #tpu.memory_space<hbm>>
        %dma_wait3A_283 = arith.constant 0 : i32
        %dma_wait3A_284 = arith.constant 0 : i32
        %dma_wait3A_285 = tpu.memref_slice %arg3[%dma_wait3A_283, %dma_wait3A_284] : memref<2x320000xi32, #tpu.memory_space<hbm>> -> memref<1x128xi32, #tpu.memory_space<hbm>>
        tpu.wait_dma2 semaphore(%arg20 : memref<!tpu.dma_semaphore, #tpu.memory_space<semaphore_mem>>) src(%dma_wait3A_285 : memref<1x128xi32, #tpu.memory_space<hbm>>) dst(%arg5 : memref<1x128xi32, #tpu.memory_space<vmem>>)
        %dma_start3A_286 = arith.constant 0 : i32
        %dma_start3A_287 = arith.constant 0 : i32
        %dma_start3A_288 = tpu.memref_slice %arg5[%dma_start3A_286, %dma_start3A_287] : memref<1x128xi32, #tpu.memory_space<vmem>> -> memref<1x128xi32, #tpu.memory_space<vmem>>
        %dma_start3A_289 = tpu.memref_squeeze %dma_start3A_288 : memref<1x128xi32, #tpu.memory_space<vmem>> -> memref<128xi32, #tpu.memory_space<vmem>>
        %dma_start3A_290 = arith.constant 0 : i32
        %dma_start3A_291 = arith.constant 0 : i32
        %dma_start3A_292 = tpu.memref_slice %arg2[%dma_start3A_290, %dma_start3A_291] : memref<10000x128xf32, #tpu.memory_space<hbm>> -> memref<10000x128xf32, #tpu.memory_space<hbm>>
        tpu.enqueue_indirect_dma source(%dma_start3A_292 : memref<10000x128xf32, #tpu.memory_space<hbm>>) target(%arg11 : memref<128x128xf32, #tpu.memory_space<vmem>>) offsets(%dma_start3A_289 : memref<128xi32, #tpu.memory_space<vmem>>) semaphore(%arg14 : memref<!tpu.dma_semaphore, #tpu.memory_space<semaphore_mem>>)
      } else {
      }
      %add3A_230 = arith.constant 2 : i32
      %add3A_231 = arith.addi %mul3A_163, %add3A_230 : i32
      %dma_wait3A_232 = arith.constant 0 : i32
      %dma_wait3A_233 = arith.constant 0 : i32
      %dma_wait3A_234 = tpu.memref_slice %arg7[%dma_wait3A_232, %dma_wait3A_233] : memref<1x128xi32, #tpu.memory_space<vmem>> -> memref<1x128xi32, #tpu.memory_space<vmem>>
      %dma_wait3A_235 = tpu.memref_squeeze %dma_wait3A_234 : memref<1x128xi32, #tpu.memory_space<vmem>> -> memref<128xi32, #tpu.memory_space<vmem>>
      %dma_wait3A_236 = arith.constant 0 : i32
      %dma_wait3A_237 = arith.constant 0 : i32
      %dma_wait3A_238 = tpu.memref_slice %arg2[%dma_wait3A_236, %dma_wait3A_237] : memref<10000x128xf32, #tpu.memory_space<hbm>> -> memref<10000x128xf32, #tpu.memory_space<hbm>>
      tpu.wait_indirect_dma semaphore(%arg16 : memref<!tpu.dma_semaphore, #tpu.memory_space<semaphore_mem>>) src(%dma_wait3A_238 : memref<10000x128xf32, #tpu.memory_space<hbm>>) dst(%arg13 : memref<128x128xf32, #tpu.memory_space<vmem>>)
      %dma_wait3A_239 = arith.constant 1 : i32
      %dma_wait3A_240 = arith.constant 0 : i32
      %dma_wait3A_241 = tpu.memref_slice %arg3[%dma_wait3A_239, %dma_wait3A_240] : memref<2x320000xi32, #tpu.memory_space<hbm>> -> memref<1x128xi32, #tpu.memory_space<hbm>>
      %dma_wait3A_242 = arith.constant 1 : i32
      %dma_wait3A_243 = arith.constant 0 : i32
      %dma_wait3A_244 = tpu.memref_slice %arg3[%dma_wait3A_242, %dma_wait3A_243] : memref<2x320000xi32, #tpu.memory_space<hbm>> -> memref<1x128xi32, #tpu.memory_space<hbm>>
      tpu.wait_dma2 semaphore(%arg25 : memref<!tpu.dma_semaphore, #tpu.memory_space<semaphore_mem>>) src(%dma_wait3A_244 : memref<1x128xi32, #tpu.memory_space<hbm>>) dst(%arg10 : memref<1x128xi32, #tpu.memory_space<vmem>>)
      %dma_start3A_245 = arith.constant 0 : i32
      %dma_start3A_246 = arith.constant 0 : i32
      %dma_start3A_247 = tpu.memref_slice %arg10[%dma_start3A_245, %dma_start3A_246] : memref<1x128xi32, #tpu.memory_space<vmem>> -> memref<1x128xi32, #tpu.memory_space<vmem>>
      %dma_start3A_248 = tpu.memref_squeeze %dma_start3A_247 : memref<1x128xi32, #tpu.memory_space<vmem>> -> memref<128xi32, #tpu.memory_space<vmem>>
      %dma_start3A_249 = arith.constant 0 : i32
      %dma_start3A_250 = arith.constant 0 : i32
      %dma_start3A_251 = tpu.memref_slice %arg26[%dma_start3A_249, %dma_start3A_250] : memref<10112x128xf32, #tpu.memory_space<vmem_shared>> -> memref<10112x128xf32, #tpu.memory_space<vmem_shared>>
      tpu.enqueue_indirect_dma source(%arg13 : memref<128x128xf32, #tpu.memory_space<vmem>>) target(%dma_start3A_251 : memref<10112x128xf32, #tpu.memory_space<vmem_shared>>) offsets(%dma_start3A_248 : memref<128xi32, #tpu.memory_space<vmem>>) semaphore(%arg19 : memref<!tpu.dma_semaphore, #tpu.memory_space<semaphore_mem>>) {add = true}
      %add3A_252 = arith.constant 3 : i32
      %add3A_253 = arith.addi %add3A_231, %add3A_252 : i32
      %lt3A_254 = arith.cmpi slt, %add3A_253, %add3A_4 : i32
      %convert_element_type3A_255 = arith.extui %lt3A_254 : i1 to i32
      %cond3A_256 = arith.constant 0 : i32
      %cond3A_257 = arith.cmpi ne, %convert_element_type3A_255, %cond3A_256 : i32
      scf.if %cond3A_257 {
        %add3A_264 = arith.constant 3 : i32
        %add3A_265 = arith.addi %add3A_231, %add3A_264 : i32
        %mul3A_266 = arith.constant 32 : i32
        %mul3A_267 = arith.muli %add3A_265, %mul3A_266 : i32
        %add3A_268 = arith.addi %mul3A_267, %add3A : i32
        %mul3A_269 = arith.constant 128 : i32
        %mul3A_270 = arith.muli %add3A_268, %mul3A_269 : i32
        %multiple_of3A_271 = tpu.assume_multiple %mul3A_270, 128 : i32
        %dma_start3A_272 = arith.constant 0 : i32
        %dma_start3A_273 = tpu.memref_slice %arg3[%dma_start3A_272, %multiple_of3A_271] : memref<2x320000xi32, #tpu.memory_space<hbm>> -> memref<1x128xi32, #tpu.memory_space<hbm>>
        %dma_start3A_274 = arith.constant 0 : i32
        %dma_start3A_275 = tpu.memref_slice %arg3[%dma_start3A_274, %multiple_of3A_271] : memref<2x320000xi32, #tpu.memory_space<hbm>> -> memref<1x128xi32, #tpu.memory_space<hbm>>
        tpu.enqueue_dma source(%dma_start3A_275 : memref<1x128xi32, #tpu.memory_space<hbm>>) target(%arg7 : memref<1x128xi32, #tpu.memory_space<vmem>>) target_semaphore(%arg22 : memref<!tpu.dma_semaphore, #tpu.memory_space<semaphore_mem>>)
      } else {
      }
      %add3A_258 = arith.constant 2 : i32
      %add3A_259 = arith.addi %add3A_231, %add3A_258 : i32
      %lt3A_260 = arith.cmpi slt, %add3A_259, %add3A_4 : i32
      %convert_element_type3A_261 = arith.extui %lt3A_260 : i1 to i32
      %cond3A_262 = arith.constant 0 : i32
      %cond3A_263 = arith.cmpi ne, %convert_element_type3A_261, %cond3A_262 : i32
      scf.if %cond3A_263 {
        %ge3A = arith.constant 1 : i32
        %ge3A_264 = arith.cmpi sge, %add3A_231, %ge3A : i32
        %convert_element_type3A_265 = arith.extui %ge3A_264 : i1 to i32
        %cond3A_266 = arith.constant 0 : i32
        %cond3A_267 = arith.cmpi ne, %convert_element_type3A_265, %cond3A_266 : i32
        scf.if %cond3A_267 {
          %dma_wait3A_293 = arith.constant 0 : i32
          %dma_wait3A_294 = arith.constant 0 : i32
          %dma_wait3A_295 = tpu.memref_slice %arg9[%dma_wait3A_293, %dma_wait3A_294] : memref<1x128xi32, #tpu.memory_space<vmem>> -> memref<1x128xi32, #tpu.memory_space<vmem>>
          %dma_wait3A_296 = tpu.memref_squeeze %dma_wait3A_295 : memref<1x128xi32, #tpu.memory_space<vmem>> -> memref<128xi32, #tpu.memory_space<vmem>>
          %dma_wait3A_297 = arith.constant 0 : i32
          %dma_wait3A_298 = arith.constant 0 : i32
          %dma_wait3A_299 = tpu.memref_slice %arg26[%dma_wait3A_297, %dma_wait3A_298] : memref<10112x128xf32, #tpu.memory_space<vmem_shared>> -> memref<10112x128xf32, #tpu.memory_space<vmem_shared>>
          tpu.wait_indirect_dma semaphore(%arg18 : memref<!tpu.dma_semaphore, #tpu.memory_space<semaphore_mem>>) src(%arg12 : memref<128x128xf32, #tpu.memory_space<vmem>>) dst(%dma_wait3A_299 : memref<10112x128xf32, #tpu.memory_space<vmem_shared>>)
        } else {
        }
        %add3A_268 = arith.constant 2 : i32
        %add3A_269 = arith.addi %add3A_231, %add3A_268 : i32
        %mul3A_270 = arith.constant 32 : i32
        %mul3A_271 = arith.muli %add3A_269, %mul3A_270 : i32
        %add3A_272 = arith.addi %mul3A_271, %add3A : i32
        %mul3A_273 = arith.constant 128 : i32
        %mul3A_274 = arith.muli %add3A_272, %mul3A_273 : i32
        %multiple_of3A_275 = tpu.assume_multiple %mul3A_274, 128 : i32
        %dma_start3A_276 = arith.constant 1 : i32
        %dma_start3A_277 = tpu.memref_slice %arg3[%dma_start3A_276, %multiple_of3A_275] : memref<2x320000xi32, #tpu.memory_space<hbm>> -> memref<1x128xi32, #tpu.memory_space<hbm>>
        %dma_start3A_278 = arith.constant 1 : i32
        %dma_start3A_279 = tpu.memref_slice %arg3[%dma_start3A_278, %multiple_of3A_275] : memref<2x320000xi32, #tpu.memory_space<hbm>> -> memref<1x128xi32, #tpu.memory_space<hbm>>
        tpu.enqueue_dma source(%dma_start3A_279 : memref<1x128xi32, #tpu.memory_space<hbm>>) target(%arg9 : memref<1x128xi32, #tpu.memory_space<vmem>>) target_semaphore(%arg24 : memref<!tpu.dma_semaphore, #tpu.memory_space<semaphore_mem>>)
        %dma_wait3A_280 = arith.constant 0 : i32
        %dma_wait3A_281 = arith.constant 0 : i32
        %dma_wait3A_282 = tpu.memref_slice %arg3[%dma_wait3A_280, %dma_wait3A_281] : memref<2x320000xi32, #tpu.memory_space<hbm>> -> memref<1x128xi32, #tpu.memory_space<hbm>>
        %dma_wait3A_283 = arith.constant 0 : i32
        %dma_wait3A_284 = arith.constant 0 : i32
        %dma_wait3A_285 = tpu.memref_slice %arg3[%dma_wait3A_283, %dma_wait3A_284] : memref<2x320000xi32, #tpu.memory_space<hbm>> -> memref<1x128xi32, #tpu.memory_space<hbm>>
        tpu.wait_dma2 semaphore(%arg21 : memref<!tpu.dma_semaphore, #tpu.memory_space<semaphore_mem>>) src(%dma_wait3A_285 : memref<1x128xi32, #tpu.memory_space<hbm>>) dst(%arg6 : memref<1x128xi32, #tpu.memory_space<vmem>>)
        %dma_start3A_286 = arith.constant 0 : i32
        %dma_start3A_287 = arith.constant 0 : i32
        %dma_start3A_288 = tpu.memref_slice %arg6[%dma_start3A_286, %dma_start3A_287] : memref<1x128xi32, #tpu.memory_space<vmem>> -> memref<1x128xi32, #tpu.memory_space<vmem>>
        %dma_start3A_289 = tpu.memref_squeeze %dma_start3A_288 : memref<1x128xi32, #tpu.memory_space<vmem>> -> memref<128xi32, #tpu.memory_space<vmem>>
        %dma_start3A_290 = arith.constant 0 : i32
        %dma_start3A_291 = arith.constant 0 : i32
        %dma_start3A_292 = tpu.memref_slice %arg2[%dma_start3A_290, %dma_start3A_291] : memref<10000x128xf32, #tpu.memory_space<hbm>> -> memref<10000x128xf32, #tpu.memory_space<hbm>>
        tpu.enqueue_indirect_dma source(%dma_start3A_292 : memref<10000x128xf32, #tpu.memory_space<hbm>>) target(%arg12 : memref<128x128xf32, #tpu.memory_space<vmem>>) offsets(%dma_start3A_289 : memref<128xi32, #tpu.memory_space<vmem>>) semaphore(%arg15 : memref<!tpu.dma_semaphore, #tpu.memory_space<semaphore_mem>>)
      } else {
      }
    }
    %jit3A_117 = arith.constant 3 : i32
    %eq3A = arith.constant 0 : i32
    %eq3A_118 = arith.cmpi eq, %jit3A_117, %eq3A : i32
    %jit3A_119 = arith.constant 1 : i32
    %select_n3A_120 = arith.select %eq3A_118, %jit3A_119, %jit3A_117 : i32
    %rem3A_121 = arith.remsi %add3A_4, %select_n3A_120 : i32
    %ne3A_122 = arith.constant 0 : i32
    %ne3A_123 = arith.cmpi ne, %rem3A_121, %ne3A_122 : i32
    %lt3A_124 = arith.constant 0 : i32
    %lt3A_125 = arith.cmpi slt, %rem3A_121, %lt3A_124 : i32
    %lt3A_126 = arith.constant 0 : i32
    %lt3A_127 = arith.cmpi slt, %select_n3A_120, %lt3A_126 : i32
    %ne3A_128 = arith.xori %lt3A_125, %lt3A_127 : i1
    %and3A_129 = arith.andi %ne3A_128, %ne3A_123 : i1
    %add3A_130 = arith.addi %rem3A_121, %select_n3A_120 : i32
    %select_n3A_131 = arith.select %and3A_129, %add3A_130, %rem3A_121 : i32
    %eq3A_132 = arith.constant 1 : i32
    %eq3A_133 = arith.cmpi eq, %select_n3A_131, %eq3A_132 : i32
    %convert_element_type3A = arith.extui %eq3A_133 : i1 to i32
    %cond3A = arith.constant 0 : i32
    %cond3A_134 = arith.cmpi ne, %convert_element_type3A, %cond3A : i32
    scf.if %cond3A_134 {
      %sub3A_161 = arith.constant 1 : i32
      %sub3A_162 = arith.subi %add3A_4, %sub3A_161 : i32
      %dma_wait3A_163 = arith.constant 0 : i32
      %dma_wait3A_164 = arith.constant 0 : i32
      %dma_wait3A_165 = tpu.memref_slice %arg5[%dma_wait3A_163, %dma_wait3A_164] : memref<1x128xi32, #tpu.memory_space<vmem>> -> memref<1x128xi32, #tpu.memory_space<vmem>>
      %dma_wait3A_166 = tpu.memref_squeeze %dma_wait3A_165 : memref<1x128xi32, #tpu.memory_space<vmem>> -> memref<128xi32, #tpu.memory_space<vmem>>
      %dma_wait3A_167 = arith.constant 0 : i32
      %dma_wait3A_168 = arith.constant 0 : i32
      %dma_wait3A_169 = tpu.memref_slice %arg2[%dma_wait3A_167, %dma_wait3A_168] : memref<10000x128xf32, #tpu.memory_space<hbm>> -> memref<10000x128xf32, #tpu.memory_space<hbm>>
      tpu.wait_indirect_dma semaphore(%arg14 : memref<!tpu.dma_semaphore, #tpu.memory_space<semaphore_mem>>) src(%dma_wait3A_169 : memref<10000x128xf32, #tpu.memory_space<hbm>>) dst(%arg11 : memref<128x128xf32, #tpu.memory_space<vmem>>)
      %dma_wait3A_170 = arith.constant 1 : i32
      %dma_wait3A_171 = arith.constant 0 : i32
      %dma_wait3A_172 = tpu.memref_slice %arg3[%dma_wait3A_170, %dma_wait3A_171] : memref<2x320000xi32, #tpu.memory_space<hbm>> -> memref<1x128xi32, #tpu.memory_space<hbm>>
      %dma_wait3A_173 = arith.constant 1 : i32
      %dma_wait3A_174 = arith.constant 0 : i32
      %dma_wait3A_175 = tpu.memref_slice %arg3[%dma_wait3A_173, %dma_wait3A_174] : memref<2x320000xi32, #tpu.memory_space<hbm>> -> memref<1x128xi32, #tpu.memory_space<hbm>>
      tpu.wait_dma2 semaphore(%arg23 : memref<!tpu.dma_semaphore, #tpu.memory_space<semaphore_mem>>) src(%dma_wait3A_175 : memref<1x128xi32, #tpu.memory_space<hbm>>) dst(%arg8 : memref<1x128xi32, #tpu.memory_space<vmem>>)
      %dma_start3A_176 = arith.constant 0 : i32
      %dma_start3A_177 = arith.constant 0 : i32
      %dma_start3A_178 = tpu.memref_slice %arg8[%dma_start3A_176, %dma_start3A_177] : memref<1x128xi32, #tpu.memory_space<vmem>> -> memref<1x128xi32, #tpu.memory_space<vmem>>
      %dma_start3A_179 = tpu.memref_squeeze %dma_start3A_178 : memref<1x128xi32, #tpu.memory_space<vmem>> -> memref<128xi32, #tpu.memory_space<vmem>>
      %dma_start3A_180 = arith.constant 0 : i32
      %dma_start3A_181 = arith.constant 0 : i32
      %dma_start3A_182 = tpu.memref_slice %arg26[%dma_start3A_180, %dma_start3A_181] : memref<10112x128xf32, #tpu.memory_space<vmem_shared>> -> memref<10112x128xf32, #tpu.memory_space<vmem_shared>>
      tpu.enqueue_indirect_dma source(%arg11 : memref<128x128xf32, #tpu.memory_space<vmem>>) target(%dma_start3A_182 : memref<10112x128xf32, #tpu.memory_space<vmem_shared>>) offsets(%dma_start3A_179 : memref<128xi32, #tpu.memory_space<vmem>>) semaphore(%arg17 : memref<!tpu.dma_semaphore, #tpu.memory_space<semaphore_mem>>) {add = true}
      %add3A_183 = arith.constant 3 : i32
      %add3A_184 = arith.addi %sub3A_162, %add3A_183 : i32
      %lt3A_185 = arith.cmpi slt, %add3A_184, %add3A_4 : i32
      %convert_element_type3A_186 = arith.extui %lt3A_185 : i1 to i32
      %cond3A_187 = arith.constant 0 : i32
      %cond3A_188 = arith.cmpi ne, %convert_element_type3A_186, %cond3A_187 : i32
      scf.if %cond3A_188 {
        %add3A_195 = arith.constant 3 : i32
        %add3A_196 = arith.addi %sub3A_162, %add3A_195 : i32
        %mul3A_197 = arith.constant 32 : i32
        %mul3A_198 = arith.muli %add3A_196, %mul3A_197 : i32
        %add3A_199 = arith.addi %mul3A_198, %add3A : i32
        %mul3A_200 = arith.constant 128 : i32
        %mul3A_201 = arith.muli %add3A_199, %mul3A_200 : i32
        %multiple_of3A_202 = tpu.assume_multiple %mul3A_201, 128 : i32
        %dma_start3A_203 = arith.constant 0 : i32
        %dma_start3A_204 = tpu.memref_slice %arg3[%dma_start3A_203, %multiple_of3A_202] : memref<2x320000xi32, #tpu.memory_space<hbm>> -> memref<1x128xi32, #tpu.memory_space<hbm>>
        %dma_start3A_205 = arith.constant 0 : i32
        %dma_start3A_206 = tpu.memref_slice %arg3[%dma_start3A_205, %multiple_of3A_202] : memref<2x320000xi32, #tpu.memory_space<hbm>> -> memref<1x128xi32, #tpu.memory_space<hbm>>
        tpu.enqueue_dma source(%dma_start3A_206 : memref<1x128xi32, #tpu.memory_space<hbm>>) target(%arg5 : memref<1x128xi32, #tpu.memory_space<vmem>>) target_semaphore(%arg20 : memref<!tpu.dma_semaphore, #tpu.memory_space<semaphore_mem>>)
      } else {
      }
      %add3A_189 = arith.constant 2 : i32
      %add3A_190 = arith.addi %sub3A_162, %add3A_189 : i32
      %lt3A_191 = arith.cmpi slt, %add3A_190, %add3A_4 : i32
      %convert_element_type3A_192 = arith.extui %lt3A_191 : i1 to i32
      %cond3A_193 = arith.constant 0 : i32
      %cond3A_194 = arith.cmpi ne, %convert_element_type3A_192, %cond3A_193 : i32
      scf.if %cond3A_194 {
        %ge3A = arith.constant 1 : i32
        %ge3A_195 = arith.cmpi sge, %sub3A_162, %ge3A : i32
        %convert_element_type3A_196 = arith.extui %ge3A_195 : i1 to i32
        %cond3A_197 = arith.constant 0 : i32
        %cond3A_198 = arith.cmpi ne, %convert_element_type3A_196, %cond3A_197 : i32
        scf.if %cond3A_198 {
          %dma_wait3A_224 = arith.constant 0 : i32
          %dma_wait3A_225 = arith.constant 0 : i32
          %dma_wait3A_226 = tpu.memref_slice %arg10[%dma_wait3A_224, %dma_wait3A_225] : memref<1x128xi32, #tpu.memory_space<vmem>> -> memref<1x128xi32, #tpu.memory_space<vmem>>
          %dma_wait3A_227 = tpu.memref_squeeze %dma_wait3A_226 : memref<1x128xi32, #tpu.memory_space<vmem>> -> memref<128xi32, #tpu.memory_space<vmem>>
          %dma_wait3A_228 = arith.constant 0 : i32
          %dma_wait3A_229 = arith.constant 0 : i32
          %dma_wait3A_230 = tpu.memref_slice %arg26[%dma_wait3A_228, %dma_wait3A_229] : memref<10112x128xf32, #tpu.memory_space<vmem_shared>> -> memref<10112x128xf32, #tpu.memory_space<vmem_shared>>
          tpu.wait_indirect_dma semaphore(%arg19 : memref<!tpu.dma_semaphore, #tpu.memory_space<semaphore_mem>>) src(%arg13 : memref<128x128xf32, #tpu.memory_space<vmem>>) dst(%dma_wait3A_230 : memref<10112x128xf32, #tpu.memory_space<vmem_shared>>)
        } else {
        }
        %add3A_199 = arith.constant 2 : i32
        %add3A_200 = arith.addi %sub3A_162, %add3A_199 : i32
        %mul3A_201 = arith.constant 32 : i32
        %mul3A_202 = arith.muli %add3A_200, %mul3A_201 : i32
        %add3A_203 = arith.addi %mul3A_202, %add3A : i32
        %mul3A_204 = arith.constant 128 : i32
        %mul3A_205 = arith.muli %add3A_203, %mul3A_204 : i32
        %multiple_of3A_206 = tpu.assume_multiple %mul3A_205, 128 : i32
        %dma_start3A_207 = arith.constant 1 : i32
        %dma_start3A_208 = tpu.memref_slice %arg3[%dma_start3A_207, %multiple_of3A_206] : memref<2x320000xi32, #tpu.memory_space<hbm>> -> memref<1x128xi32, #tpu.memory_space<hbm>>
        %dma_start3A_209 = arith.constant 1 : i32
        %dma_start3A_210 = tpu.memref_slice %arg3[%dma_start3A_209, %multiple_of3A_206] : memref<2x320000xi32, #tpu.memory_space<hbm>> -> memref<1x128xi32, #tpu.memory_space<hbm>>
        tpu.enqueue_dma source(%dma_start3A_210 : memref<1x128xi32, #tpu.memory_space<hbm>>) target(%arg10 : memref<1x128xi32, #tpu.memory_space<vmem>>) target_semaphore(%arg25 : memref<!tpu.dma_semaphore, #tpu.memory_space<semaphore_mem>>)
        %dma_wait3A_211 = arith.constant 0 : i32
        %dma_wait3A_212 = arith.constant 0 : i32
        %dma_wait3A_213 = tpu.memref_slice %arg3[%dma_wait3A_211, %dma_wait3A_212] : memref<2x320000xi32, #tpu.memory_space<hbm>> -> memref<1x128xi32, #tpu.memory_space<hbm>>
        %dma_wait3A_214 = arith.constant 0 : i32
        %dma_wait3A_215 = arith.constant 0 : i32
        %dma_wait3A_216 = tpu.memref_slice %arg3[%dma_wait3A_214, %dma_wait3A_215] : memref<2x320000xi32, #tpu.memory_space<hbm>> -> memref<1x128xi32, #tpu.memory_space<hbm>>
        tpu.wait_dma2 semaphore(%arg22 : memref<!tpu.dma_semaphore, #tpu.memory_space<semaphore_mem>>) src(%dma_wait3A_216 : memref<1x128xi32, #tpu.memory_space<hbm>>) dst(%arg7 : memref<1x128xi32, #tpu.memory_space<vmem>>)
        %dma_start3A_217 = arith.constant 0 : i32
        %dma_start3A_218 = arith.constant 0 : i32
        %dma_start3A_219 = tpu.memref_slice %arg7[%dma_start3A_217, %dma_start3A_218] : memref<1x128xi32, #tpu.memory_space<vmem>> -> memref<1x128xi32, #tpu.memory_space<vmem>>
        %dma_start3A_220 = tpu.memref_squeeze %dma_start3A_219 : memref<1x128xi32, #tpu.memory_space<vmem>> -> memref<128xi32, #tpu.memory_space<vmem>>
        %dma_start3A_221 = arith.constant 0 : i32
        %dma_start3A_222 = arith.constant 0 : i32
        %dma_start3A_223 = tpu.memref_slice %arg2[%dma_start3A_221, %dma_start3A_222] : memref<10000x128xf32, #tpu.memory_space<hbm>> -> memref<10000x128xf32, #tpu.memory_space<hbm>>
        tpu.enqueue_indirect_dma source(%dma_start3A_223 : memref<10000x128xf32, #tpu.memory_space<hbm>>) target(%arg13 : memref<128x128xf32, #tpu.memory_space<vmem>>) offsets(%dma_start3A_220 : memref<128xi32, #tpu.memory_space<vmem>>) semaphore(%arg16 : memref<!tpu.dma_semaphore, #tpu.memory_space<semaphore_mem>>)
      } else {
      }
    } else {
    }
    %dma_wait3A_135 = arith.constant 0 : i32
    %dma_wait3A_136 = arith.constant 0 : i32
    %dma_wait3A_137 = tpu.memref_slice %arg8[%dma_wait3A_135, %dma_wait3A_136] : memref<1x128xi32, #tpu.memory_space<vmem>> -> memref<1x128xi32, #tpu.memory_space<vmem>>
    %dma_wait3A_138 = tpu.memref_squeeze %dma_wait3A_137 : memref<1x128xi32, #tpu.memory_space<vmem>> -> memref<128xi32, #tpu.memory_space<vmem>>
    %dma_wait3A_139 = arith.constant 0 : i32
    %dma_wait3A_140 = arith.constant 0 : i32
    %dma_wait3A_141 = tpu.memref_slice %arg26[%dma_wait3A_139, %dma_wait3A_140] : memref<10112x128xf32, #tpu.memory_space<vmem_shared>> -> memref<10112x128xf32, #tpu.memory_space<vmem_shared>>
    tpu.wait_indirect_dma semaphore(%arg17 : memref<!tpu.dma_semaphore, #tpu.memory_space<semaphore_mem>>) src(%arg11 : memref<128x128xf32, #tpu.memory_space<vmem>>) dst(%dma_wait3A_141 : memref<10112x128xf32, #tpu.memory_space<vmem_shared>>)
    %dma_wait3A_142 = arith.constant 0 : i32
    %dma_wait3A_143 = arith.constant 0 : i32
    %dma_wait3A_144 = tpu.memref_slice %arg9[%dma_wait3A_142, %dma_wait3A_143] : memref<1x128xi32, #tpu.memory_space<vmem>> -> memref<1x128xi32, #tpu.memory_space<vmem>>
    %dma_wait3A_145 = tpu.memref_squeeze %dma_wait3A_144 : memref<1x128xi32, #tpu.memory_space<vmem>> -> memref<128xi32, #tpu.memory_space<vmem>>
    %dma_wait3A_146 = arith.constant 0 : i32
    %dma_wait3A_147 = arith.constant 0 : i32
    %dma_wait3A_148 = tpu.memref_slice %arg26[%dma_wait3A_146, %dma_wait3A_147] : memref<10112x128xf32, #tpu.memory_space<vmem_shared>> -> memref<10112x128xf32, #tpu.memory_space<vmem_shared>>
    tpu.wait_indirect_dma semaphore(%arg18 : memref<!tpu.dma_semaphore, #tpu.memory_space<semaphore_mem>>) src(%arg12 : memref<128x128xf32, #tpu.memory_space<vmem>>) dst(%dma_wait3A_148 : memref<10112x128xf32, #tpu.memory_space<vmem_shared>>)
    %dma_wait3A_149 = arith.constant 0 : i32
    %dma_wait3A_150 = arith.constant 0 : i32
    %dma_wait3A_151 = tpu.memref_slice %arg10[%dma_wait3A_149, %dma_wait3A_150] : memref<1x128xi32, #tpu.memory_space<vmem>> -> memref<1x128xi32, #tpu.memory_space<vmem>>
    %dma_wait3A_152 = tpu.memref_squeeze %dma_wait3A_151 : memref<1x128xi32, #tpu.memory_space<vmem>> -> memref<128xi32, #tpu.memory_space<vmem>>
    %dma_wait3A_153 = arith.constant 0 : i32
    %dma_wait3A_154 = arith.constant 0 : i32
    %dma_wait3A_155 = tpu.memref_slice %arg26[%dma_wait3A_153, %dma_wait3A_154] : memref<10112x128xf32, #tpu.memory_space<vmem_shared>> -> memref<10112x128xf32, #tpu.memory_space<vmem_shared>>
    tpu.wait_indirect_dma semaphore(%arg19 : memref<!tpu.dma_semaphore, #tpu.memory_space<semaphore_mem>>) src(%arg13 : memref<128x128xf32, #tpu.memory_space<vmem>>) dst(%dma_wait3A_155 : memref<10112x128xf32, #tpu.memory_space<vmem_shared>>)
    %barrier3A_156 = arith.constant 0 : index
    tpu.barrier barrier_id(%barrier3A_156)
    %mul3A_157 = arith.constant 632 : i32
    %mul3A_158 = arith.muli %arg1, %mul3A_157 : i32
    %mul3A_159 = arith.constant 632 : i32
    %mul3A_160 = arith.muli %arg1, %mul3A_159 : i32
    "tpu.region"() ({
      %run_scoped3A = tpu.sem_alloc : memref<!tpu.dma_semaphore, #tpu.memory_space<semaphore_mem>>
      %dma_start3A_161 = arith.constant 0 : i32
      %dma_start3A_162 = tpu.memref_slice %arg4[%arg0, %mul3A_160, %dma_start3A_161] : memref<2x10112x128xf32, #tpu.memory_space<hbm>> -> memref<1x632x128xf32, #tpu.memory_space<hbm>>
      %dma_start3A_163 = tpu.memref_squeeze %dma_start3A_162 : memref<1x632x128xf32, #tpu.memory_space<hbm>> -> memref<632x128xf32, #tpu.memory_space<hbm>>
      %dma_start3A_164 = arith.constant 0 : i32
      %dma_start3A_165 = tpu.memref_slice %arg26[%mul3A_158, %dma_start3A_164] : memref<10112x128xf32, #tpu.memory_space<vmem_shared>> -> memref<632x128xf32, #tpu.memory_space<vmem_shared>>
      tpu.enqueue_dma source(%dma_start3A_165 : memref<632x128xf32, #tpu.memory_space<vmem_shared>>) target(%dma_start3A_163 : memref<632x128xf32, #tpu.memory_space<hbm>>) target_semaphore(%run_scoped3A : memref<!tpu.dma_semaphore, #tpu.memory_space<semaphore_mem>>)
      %dma_wait3A_166 = arith.constant 0 : i32
      %dma_wait3A_167 = tpu.memref_slice %arg4[%arg0, %mul3A_160, %dma_wait3A_166] : memref<2x10112x128xf32, #tpu.memory_space<hbm>> -> memref<1x632x128xf32, #tpu.memory_space<hbm>>
      %dma_wait3A_168 = tpu.memref_squeeze %dma_wait3A_167 : memref<1x632x128xf32, #tpu.memory_space<hbm>> -> memref<632x128xf32, #tpu.memory_space<hbm>>
      %dma_wait3A_169 = arith.constant 0 : i32
      %dma_wait3A_170 = tpu.memref_slice %arg26[%mul3A_158, %dma_wait3A_169] : memref<10112x128xf32, #tpu.memory_space<vmem_shared>> -> memref<632x128xf32, #tpu.memory_space<vmem_shared>>
      tpu.wait_dma2 semaphore(%run_scoped3A : memref<!tpu.dma_semaphore, #tpu.memory_space<semaphore_mem>>) src(%dma_wait3A_170 : memref<632x128xf32, #tpu.memory_space<vmem_shared>>) dst(%dma_wait3A_168 : memref<632x128xf32, #tpu.memory_space<hbm>>)
      tpu.yield
    }) : () -> ()
    return
  }
}

#map = affine_map<(d0, d1) -> (0, 0)>
module attributes {stable_mosaic.version = 14 : i64} {
  func.func @_deg_body(%arg0: i32, %arg1: i32, %arg2: memref<2x320000xi32, #tpu.memory_space<hbm>>, %arg3: memref<2x10240xf32, #tpu.memory_space<hbm>>, %arg4: memref<79x2x128xi32, #tpu.memory_space<vmem>>, %arg5: memref<128xf32, #tpu.memory_space<vmem>>, %arg6: memref<640xf32, #tpu.memory_space<vmem>>, %arg7: memref<!tpu.dma_semaphore, #tpu.memory_space<semaphore_mem>>, %arg8: memref<!tpu.dma_semaphore, #tpu.memory_space<semaphore_mem>>, %arg9: memref<10240xf32, #tpu.memory_space<vmem_shared>>) attributes {dimension_semantics = [#tpu.dimension_semantics<core_parallel>, #tpu.dimension_semantics<subcore_parallel>], iteration_bounds = array<i64: 2, 16>, scalar_prefetch = 0 : i64, scratch_operands = 6 : i64, tpu.core_type = #tpu.core_type<sc_vector_subcore>, window_params = [{transform_indices = #map}, {transform_indices = #map}]} {
    %mul3A = arith.constant 16 : i32
    %mul3A_0 = arith.muli %arg0, %mul3A : i32
    %add3A = arith.addi %mul3A_0, %arg1 : i32
    %lt3A = arith.constant 4 : i32
    %lt3A_1 = arith.cmpi slt, %add3A, %lt3A : i32
    %jit3A = arith.constant 1 : i32
    %jit3A_2 = arith.constant 0 : i32
    %select_n3A = arith.select %lt3A_1, %jit3A, %jit3A_2 : i32
    %add3A_3 = arith.constant 78 : i32
    %add3A_4 = arith.addi %add3A_3, %select_n3A : i32
    %scan3A = arith.constant 0 : i32
    %scan3A_5 = arith.constant 0 : i32
    %scan3A_6 = arith.constant 8 : i32
    %scan3A_7 = arith.addi %scan3A_5, %scan3A_6 : i32
    %scan3A_8 = arith.constant 1 : i32
    scf.for %scan3A_62 = %scan3A_5 to %scan3A_7 step %scan3A_8  : i32 {
      %broadcast_in_dim3A = arith.constant 1.000000e+00 : f32
      %broadcast_in_dim3A_63 = vector.broadcast %broadcast_in_dim3A : f32 to vector<16xf32>
      %mul3A_64 = arith.constant 16 : i32
      %mul3A_65 = arith.muli %scan3A_62, %mul3A_64 : i32
      %swap3A = arith.index_cast %mul3A_65 : i32 to index
      %swap3A_66 = tpu.vector_load %arg5[%swap3A] {strides = array<i32>} : memref<128xf32, #tpu.memory_space<vmem>>, vector<16xf32>,
      %swap3A_67 = vector.shape_cast %swap3A_66 : vector<16xf32> to vector<16xf32>
      %swap3A_68 = vector.shape_cast %broadcast_in_dim3A_63 : vector<16xf32> to vector<16xf32>
      tpu.vector_store %arg5[%swap3A], %swap3A_68 {strides = array<i32>} : memref<128xf32, #tpu.memory_space<vmem>>, vector<16xf32>,
    }
    %scan3A_9 = arith.constant 8 : i32
    %scan3A_10 = arith.constant 0 : i32
    %scan3A_11 = arith.constant 0 : i32
    %scan3A_12 = arith.constant 40 : i32
    %scan3A_13 = arith.addi %scan3A_11, %scan3A_12 : i32
    %scan3A_14 = arith.constant 1 : i32
    scf.for %scan3A_62 = %scan3A_11 to %scan3A_13 step %scan3A_14  : i32 {
      %broadcast_in_dim3A = arith.constant 0.000000e+00 : f32
      %broadcast_in_dim3A_63 = vector.broadcast %broadcast_in_dim3A : f32 to vector<16xf32>
      %mul3A_64 = arith.constant 16 : i32
      %mul3A_65 = arith.muli %scan3A_62, %mul3A_64 : i32
      %swap3A = arith.index_cast %mul3A_65 : i32 to index
      %swap3A_66 = tpu.vector_load %arg6[%swap3A] {strides = array<i32>} : memref<640xf32, #tpu.memory_space<vmem>>, vector<16xf32>,
      %swap3A_67 = vector.shape_cast %swap3A_66 : vector<16xf32> to vector<16xf32>
      %swap3A_68 = vector.shape_cast %broadcast_in_dim3A_63 : vector<16xf32> to vector<16xf32>
      tpu.vector_store %arg6[%swap3A], %swap3A_68 {strides = array<i32>} : memref<640xf32, #tpu.memory_space<vmem>>, vector<16xf32>,
    }
    %scan3A_15 = arith.constant 40 : i32
    %while3A = arith.constant 0 : i32
    %while3A_16 = arith.constant 0 : i32
    %while3A_17 = arith.subi %add3A_4, %while3A_16 : i32
    %while3A_18 = arith.addi %while3A_16, %while3A_17 : i32
    %while3A_19 = arith.constant 1 : i32
    %while3A_20 = arith.divsi %while3A_17, %while3A_19 : i32
    %while3A_21 = arith.muli %while3A_20, %while3A_19 : i32
    %while3A_22 = arith.addi %while3A_16, %while3A_21 : i32
    %while3A_23 = arith.constant 1 : i32
    scf.for %while3A_62 = %while3A_16 to %while3A_22 step %while3A_23  : i32 {
      %mul3A_63 = arith.constant 32 : i32
      %mul3A_64 = arith.muli %while3A_62, %mul3A_63 : i32
      %add3A_65 = arith.addi %mul3A_64, %add3A : i32
      %mul3A_66 = arith.constant 128 : i32
      %mul3A_67 = arith.muli %add3A_65, %mul3A_66 : i32
      %multiple_of3A = tpu.assume_multiple %mul3A_67, 128 : i32
      %dma_start3A = arith.constant 0 : i32
      %dma_start3A_68 = arith.constant 0 : i32
      %dma_start3A_69 = tpu.memref_slice %arg4[%while3A_62, %dma_start3A, %dma_start3A_68] : memref<79x2x128xi32, #tpu.memory_space<vmem>> -> memref<1x2x128xi32, #tpu.memory_space<vmem>>
      %dma_start3A_70 = tpu.memref_squeeze %dma_start3A_69 : memref<1x2x128xi32, #tpu.memory_space<vmem>> -> memref<2x128xi32, #tpu.memory_space<vmem>>
      %dma_start3A_71 = arith.constant 0 : i32
      %dma_start3A_72 = tpu.memref_slice %arg2[%dma_start3A_71, %multiple_of3A] : memref<2x320000xi32, #tpu.memory_space<hbm>> -> memref<2x128xi32, #tpu.memory_space<hbm>>
      %dma_start3A_73 = arith.constant 0 : i32
      %dma_start3A_74 = arith.constant 0 : i32
      %dma_start3A_75 = tpu.memref_slice %arg4[%while3A_62, %dma_start3A_73, %dma_start3A_74] : memref<79x2x128xi32, #tpu.memory_space<vmem>> -> memref<1x2x128xi32, #tpu.memory_space<vmem>>
      %dma_start3A_76 = tpu.memref_squeeze %dma_start3A_75 : memref<1x2x128xi32, #tpu.memory_space<vmem>> -> memref<2x128xi32, #tpu.memory_space<vmem>>
      %dma_start3A_77 = arith.constant 0 : i32
      %dma_start3A_78 = tpu.memref_slice %arg2[%dma_start3A_77, %multiple_of3A] : memref<2x320000xi32, #tpu.memory_space<hbm>> -> memref<2x128xi32, #tpu.memory_space<hbm>>
      tpu.enqueue_dma source(%dma_start3A_78 : memref<2x128xi32, #tpu.memory_space<hbm>>) target(%dma_start3A_76 : memref<2x128xi32, #tpu.memory_space<vmem>>) target_semaphore(%arg7 : memref<!tpu.dma_semaphore, #tpu.memory_space<semaphore_mem>>)
    }
    %while3A_24 = arith.constant 1 : i32
    scf.for %while3A_62 = %while3A_22 to %while3A_18 step %while3A_24  : i32 {
      %mul3A_63 = arith.constant 32 : i32
      %mul3A_64 = arith.muli %while3A_62, %mul3A_63 : i32
      %add3A_65 = arith.addi %mul3A_64, %add3A : i32
      %mul3A_66 = arith.constant 128 : i32
      %mul3A_67 = arith.muli %add3A_65, %mul3A_66 : i32
      %multiple_of3A = tpu.assume_multiple %mul3A_67, 128 : i32
      %dma_start3A = arith.constant 0 : i32
      %dma_start3A_68 = arith.constant 0 : i32
      %dma_start3A_69 = tpu.memref_slice %arg4[%while3A_62, %dma_start3A, %dma_start3A_68] : memref<79x2x128xi32, #tpu.memory_space<vmem>> -> memref<1x2x128xi32, #tpu.memory_space<vmem>>
      %dma_start3A_70 = tpu.memref_squeeze %dma_start3A_69 : memref<1x2x128xi32, #tpu.memory_space<vmem>> -> memref<2x128xi32, #tpu.memory_space<vmem>>
      %dma_start3A_71 = arith.constant 0 : i32
      %dma_start3A_72 = tpu.memref_slice %arg2[%dma_start3A_71, %multiple_of3A] : memref<2x320000xi32, #tpu.memory_space<hbm>> -> memref<2x128xi32, #tpu.memory_space<hbm>>
      %dma_start3A_73 = arith.constant 0 : i32
      %dma_start3A_74 = arith.constant 0 : i32
      %dma_start3A_75 = tpu.memref_slice %arg4[%while3A_62, %dma_start3A_73, %dma_start3A_74] : memref<79x2x128xi32, #tpu.memory_space<vmem>> -> memref<1x2x128xi32, #tpu.memory_space<vmem>>
      %dma_start3A_76 = tpu.memref_squeeze %dma_start3A_75 : memref<1x2x128xi32, #tpu.memory_space<vmem>> -> memref<2x128xi32, #tpu.memory_space<vmem>>
      %dma_start3A_77 = arith.constant 0 : i32
      %dma_start3A_78 = tpu.memref_slice %arg2[%dma_start3A_77, %multiple_of3A] : memref<2x320000xi32, #tpu.memory_space<hbm>> -> memref<2x128xi32, #tpu.memory_space<hbm>>
      tpu.enqueue_dma source(%dma_start3A_78 : memref<2x128xi32, #tpu.memory_space<hbm>>) target(%dma_start3A_76 : memref<2x128xi32, #tpu.memory_space<vmem>>) target_semaphore(%arg7 : memref<!tpu.dma_semaphore, #tpu.memory_space<semaphore_mem>>)
    }
    %mul3A_25 = arith.constant 640 : i32
    %mul3A_26 = arith.muli %arg1, %mul3A_25 : i32
    "tpu.region"() ({
      %run_scoped3A = tpu.sem_alloc : memref<!tpu.dma_semaphore, #tpu.memory_space<semaphore_mem>>
      %dma_start3A = tpu.memref_slice %arg9[%mul3A_26] : memref<10240xf32, #tpu.memory_space<vmem_shared>> -> memref<640xf32, #tpu.memory_space<vmem_shared>>
      %dma_start3A_62 = tpu.memref_slice %arg9[%mul3A_26] : memref<10240xf32, #tpu.memory_space<vmem_shared>> -> memref<640xf32, #tpu.memory_space<vmem_shared>>
      tpu.enqueue_dma source(%arg6 : memref<640xf32, #tpu.memory_space<vmem>>) target(%dma_start3A_62 : memref<640xf32, #tpu.memory_space<vmem_shared>>) target_semaphore(%run_scoped3A : memref<!tpu.dma_semaphore, #tpu.memory_space<semaphore_mem>>)
      %dma_wait3A = tpu.memref_slice %arg9[%mul3A_26] : memref<10240xf32, #tpu.memory_space<vmem_shared>> -> memref<640xf32, #tpu.memory_space<vmem_shared>>
      %dma_wait3A_63 = tpu.memref_slice %arg9[%mul3A_26] : memref<10240xf32, #tpu.memory_space<vmem_shared>> -> memref<640xf32, #tpu.memory_space<vmem_shared>>
      tpu.wait_dma2 semaphore(%run_scoped3A : memref<!tpu.dma_semaphore, #tpu.memory_space<semaphore_mem>>) src(%arg6 : memref<640xf32, #tpu.memory_space<vmem>>) dst(%dma_wait3A_63 : memref<640xf32, #tpu.memory_space<vmem_shared>>)
      tpu.yield
    }) : () -> ()
    %while3A_27 = arith.constant 0 : i32
    %while3A_28 = arith.constant 0 : i32
    %while3A_29 = arith.subi %add3A_4, %while3A_28 : i32
    %while3A_30 = arith.addi %while3A_28, %while3A_29 : i32
    %while3A_31 = arith.constant 1 : i32
    %while3A_32 = arith.divsi %while3A_29, %while3A_31 : i32
    %while3A_33 = arith.muli %while3A_32, %while3A_31 : i32
    %while3A_34 = arith.addi %while3A_28, %while3A_33 : i32
    %while3A_35 = arith.constant 1 : i32
    scf.for %while3A_62 = %while3A_28 to %while3A_34 step %while3A_35  : i32 {
      %dma_wait3A = arith.constant 0 : i32
      %dma_wait3A_63 = arith.constant 0 : i32
      %dma_wait3A_64 = tpu.memref_slice %arg4[%while3A_62, %dma_wait3A, %dma_wait3A_63] : memref<79x2x128xi32, #tpu.memory_space<vmem>> -> memref<1x2x128xi32, #tpu.memory_space<vmem>>
      %dma_wait3A_65 = tpu.memref_squeeze %dma_wait3A_64 : memref<1x2x128xi32, #tpu.memory_space<vmem>> -> memref<2x128xi32, #tpu.memory_space<vmem>>
      %dma_wait3A_66 = arith.constant 0 : i32
      %dma_wait3A_67 = arith.constant 0 : i32
      %dma_wait3A_68 = tpu.memref_slice %arg2[%dma_wait3A_66, %dma_wait3A_67] : memref<2x320000xi32, #tpu.memory_space<hbm>> -> memref<2x128xi32, #tpu.memory_space<hbm>>
      %dma_wait3A_69 = arith.constant 0 : i32
      %dma_wait3A_70 = arith.constant 0 : i32
      %dma_wait3A_71 = tpu.memref_slice %arg4[%while3A_62, %dma_wait3A_69, %dma_wait3A_70] : memref<79x2x128xi32, #tpu.memory_space<vmem>> -> memref<1x2x128xi32, #tpu.memory_space<vmem>>
      %dma_wait3A_72 = tpu.memref_squeeze %dma_wait3A_71 : memref<1x2x128xi32, #tpu.memory_space<vmem>> -> memref<2x128xi32, #tpu.memory_space<vmem>>
      %dma_wait3A_73 = arith.constant 0 : i32
      %dma_wait3A_74 = arith.constant 0 : i32
      %dma_wait3A_75 = tpu.memref_slice %arg2[%dma_wait3A_73, %dma_wait3A_74] : memref<2x320000xi32, #tpu.memory_space<hbm>> -> memref<2x128xi32, #tpu.memory_space<hbm>>
      tpu.wait_dma2 semaphore(%arg7 : memref<!tpu.dma_semaphore, #tpu.memory_space<semaphore_mem>>) src(%dma_wait3A_75 : memref<2x128xi32, #tpu.memory_space<hbm>>) dst(%dma_wait3A_72 : memref<2x128xi32, #tpu.memory_space<vmem>>)
    }
    %while3A_36 = arith.constant 1 : i32
    scf.for %while3A_62 = %while3A_34 to %while3A_30 step %while3A_36  : i32 {
      %dma_wait3A = arith.constant 0 : i32
      %dma_wait3A_63 = arith.constant 0 : i32
      %dma_wait3A_64 = tpu.memref_slice %arg4[%while3A_62, %dma_wait3A, %dma_wait3A_63] : memref<79x2x128xi32, #tpu.memory_space<vmem>> -> memref<1x2x128xi32, #tpu.memory_space<vmem>>
      %dma_wait3A_65 = tpu.memref_squeeze %dma_wait3A_64 : memref<1x2x128xi32, #tpu.memory_space<vmem>> -> memref<2x128xi32, #tpu.memory_space<vmem>>
      %dma_wait3A_66 = arith.constant 0 : i32
      %dma_wait3A_67 = arith.constant 0 : i32
      %dma_wait3A_68 = tpu.memref_slice %arg2[%dma_wait3A_66, %dma_wait3A_67] : memref<2x320000xi32, #tpu.memory_space<hbm>> -> memref<2x128xi32, #tpu.memory_space<hbm>>
      %dma_wait3A_69 = arith.constant 0 : i32
      %dma_wait3A_70 = arith.constant 0 : i32
      %dma_wait3A_71 = tpu.memref_slice %arg4[%while3A_62, %dma_wait3A_69, %dma_wait3A_70] : memref<79x2x128xi32, #tpu.memory_space<vmem>> -> memref<1x2x128xi32, #tpu.memory_space<vmem>>
      %dma_wait3A_72 = tpu.memref_squeeze %dma_wait3A_71 : memref<1x2x128xi32, #tpu.memory_space<vmem>> -> memref<2x128xi32, #tpu.memory_space<vmem>>
      %dma_wait3A_73 = arith.constant 0 : i32
      %dma_wait3A_74 = arith.constant 0 : i32
      %dma_wait3A_75 = tpu.memref_slice %arg2[%dma_wait3A_73, %dma_wait3A_74] : memref<2x320000xi32, #tpu.memory_space<hbm>> -> memref<2x128xi32, #tpu.memory_space<hbm>>
      tpu.wait_dma2 semaphore(%arg7 : memref<!tpu.dma_semaphore, #tpu.memory_space<semaphore_mem>>) src(%dma_wait3A_75 : memref<2x128xi32, #tpu.memory_space<hbm>>) dst(%dma_wait3A_72 : memref<2x128xi32, #tpu.memory_space<vmem>>)
    }
    %barrier3A = arith.constant 0 : index
    tpu.barrier barrier_id(%barrier3A)
    %while3A_37 = arith.constant 0 : i32
    %while3A_38 = arith.constant 0 : i32
    %while3A_39 = arith.subi %add3A_4, %while3A_38 : i32
    %while3A_40 = arith.addi %while3A_38, %while3A_39 : i32
    %while3A_41 = arith.constant 1 : i32
    %while3A_42 = arith.divsi %while3A_39, %while3A_41 : i32
    %while3A_43 = arith.muli %while3A_42, %while3A_41 : i32
    %while3A_44 = arith.addi %while3A_38, %while3A_43 : i32
    %while3A_45 = arith.constant 1 : i32
    scf.for %while3A_62 = %while3A_38 to %while3A_44 step %while3A_45  : i32 {
      %dma_start3A = arith.constant 1 : i32
      %dma_start3A_63 = arith.constant 0 : i32
      %dma_start3A_64 = tpu.memref_slice %arg4[%while3A_62, %dma_start3A, %dma_start3A_63] : memref<79x2x128xi32, #tpu.memory_space<vmem>> -> memref<1x1x128xi32, #tpu.memory_space<vmem>>
      %dma_start3A_65 = tpu.memref_squeeze %dma_start3A_64 : memref<1x1x128xi32, #tpu.memory_space<vmem>> -> memref<128xi32, #tpu.memory_space<vmem>>
      %dma_start3A_66 = arith.constant 0 : i32
      %dma_start3A_67 = tpu.memref_slice %arg9[%dma_start3A_66] : memref<10240xf32, #tpu.memory_space<vmem_shared>> -> memref<10240xf32, #tpu.memory_space<vmem_shared>>
      tpu.enqueue_indirect_dma source(%arg5 : memref<128xf32, #tpu.memory_space<vmem>>) target(%dma_start3A_67 : memref<10240xf32, #tpu.memory_space<vmem_shared>>) offsets(%dma_start3A_65 : memref<128xi32, #tpu.memory_space<vmem>>) semaphore(%arg8 : memref<!tpu.dma_semaphore, #tpu.memory_space<semaphore_mem>>) {add = true}
    }
    %while3A_46 = arith.constant 1 : i32
    scf.for %while3A_62 = %while3A_44 to %while3A_40 step %while3A_46  : i32 {
      %dma_start3A = arith.constant 1 : i32
      %dma_start3A_63 = arith.constant 0 : i32
      %dma_start3A_64 = tpu.memref_slice %arg4[%while3A_62, %dma_start3A, %dma_start3A_63] : memref<79x2x128xi32, #tpu.memory_space<vmem>> -> memref<1x1x128xi32, #tpu.memory_space<vmem>>
      %dma_start3A_65 = tpu.memref_squeeze %dma_start3A_64 : memref<1x1x128xi32, #tpu.memory_space<vmem>> -> memref<128xi32, #tpu.memory_space<vmem>>
      %dma_start3A_66 = arith.constant 0 : i32
      %dma_start3A_67 = tpu.memref_slice %arg9[%dma_start3A_66] : memref<10240xf32, #tpu.memory_space<vmem_shared>> -> memref<10240xf32, #tpu.memory_space<vmem_shared>>
      tpu.enqueue_indirect_dma source(%arg5 : memref<128xf32, #tpu.memory_space<vmem>>) target(%dma_start3A_67 : memref<10240xf32, #tpu.memory_space<vmem_shared>>) offsets(%dma_start3A_65 : memref<128xi32, #tpu.memory_space<vmem>>) semaphore(%arg8 : memref<!tpu.dma_semaphore, #tpu.memory_space<semaphore_mem>>) {add = true}
    }
    %while3A_47 = arith.constant 0 : i32
    %while3A_48 = arith.constant 0 : i32
    %while3A_49 = arith.subi %add3A_4, %while3A_48 : i32
    %while3A_50 = arith.addi %while3A_48, %while3A_49 : i32
    %while3A_51 = arith.constant 1 : i32
    %while3A_52 = arith.divsi %while3A_49, %while3A_51 : i32
    %while3A_53 = arith.muli %while3A_52, %while3A_51 : i32
    %while3A_54 = arith.addi %while3A_48, %while3A_53 : i32
    %while3A_55 = arith.constant 1 : i32
    scf.for %while3A_62 = %while3A_48 to %while3A_54 step %while3A_55  : i32 {
      %dma_wait3A = arith.constant 1 : i32
      %dma_wait3A_63 = arith.constant 0 : i32
      %dma_wait3A_64 = tpu.memref_slice %arg4[%while3A_62, %dma_wait3A, %dma_wait3A_63] : memref<79x2x128xi32, #tpu.memory_space<vmem>> -> memref<1x1x128xi32, #tpu.memory_space<vmem>>
      %dma_wait3A_65 = tpu.memref_squeeze %dma_wait3A_64 : memref<1x1x128xi32, #tpu.memory_space<vmem>> -> memref<128xi32, #tpu.memory_space<vmem>>
      %dma_wait3A_66 = arith.constant 0 : i32
      %dma_wait3A_67 = tpu.memref_slice %arg9[%dma_wait3A_66] : memref<10240xf32, #tpu.memory_space<vmem_shared>> -> memref<10240xf32, #tpu.memory_space<vmem_shared>>
      tpu.wait_indirect_dma semaphore(%arg8 : memref<!tpu.dma_semaphore, #tpu.memory_space<semaphore_mem>>) src(%arg5 : memref<128xf32, #tpu.memory_space<vmem>>) dst(%dma_wait3A_67 : memref<10240xf32, #tpu.memory_space<vmem_shared>>)
    }
    %while3A_56 = arith.constant 1 : i32
    scf.for %while3A_62 = %while3A_54 to %while3A_50 step %while3A_56  : i32 {
      %dma_wait3A = arith.constant 1 : i32
      %dma_wait3A_63 = arith.constant 0 : i32
      %dma_wait3A_64 = tpu.memref_slice %arg4[%while3A_62, %dma_wait3A, %dma_wait3A_63] : memref<79x2x128xi32, #tpu.memory_space<vmem>> -> memref<1x1x128xi32, #tpu.memory_space<vmem>>
      %dma_wait3A_65 = tpu.memref_squeeze %dma_wait3A_64 : memref<1x1x128xi32, #tpu.memory_space<vmem>> -> memref<128xi32, #tpu.memory_space<vmem>>
      %dma_wait3A_66 = arith.constant 0 : i32
      %dma_wait3A_67 = tpu.memref_slice %arg9[%dma_wait3A_66] : memref<10240xf32, #tpu.memory_space<vmem_shared>> -> memref<10240xf32, #tpu.memory_space<vmem_shared>>
      tpu.wait_indirect_dma semaphore(%arg8 : memref<!tpu.dma_semaphore, #tpu.memory_space<semaphore_mem>>) src(%arg5 : memref<128xf32, #tpu.memory_space<vmem>>) dst(%dma_wait3A_67 : memref<10240xf32, #tpu.memory_space<vmem_shared>>)
    }
    %barrier3A_57 = arith.constant 0 : index
    tpu.barrier barrier_id(%barrier3A_57)
    %mul3A_58 = arith.constant 640 : i32
    %mul3A_59 = arith.muli %arg1, %mul3A_58 : i32
    %mul3A_60 = arith.constant 640 : i32
    %mul3A_61 = arith.muli %arg1, %mul3A_60 : i32
    "tpu.region"() ({
      %run_scoped3A = tpu.sem_alloc : memref<!tpu.dma_semaphore, #tpu.memory_space<semaphore_mem>>
      %dma_start3A = tpu.memref_slice %arg3[%arg0, %mul3A_61] : memref<2x10240xf32, #tpu.memory_space<hbm>> -> memref<1x640xf32, #tpu.memory_space<hbm>>
      %dma_start3A_62 = tpu.memref_squeeze %dma_start3A : memref<1x640xf32, #tpu.memory_space<hbm>> -> memref<640xf32, #tpu.memory_space<hbm>>
      %dma_start3A_63 = tpu.memref_slice %arg9[%mul3A_59] : memref<10240xf32, #tpu.memory_space<vmem_shared>> -> memref<640xf32, #tpu.memory_space<vmem_shared>>
      tpu.enqueue_dma source(%dma_start3A_63 : memref<640xf32, #tpu.memory_space<vmem_shared>>) target(%dma_start3A_62 : memref<640xf32, #tpu.memory_space<hbm>>) target_semaphore(%run_scoped3A : memref<!tpu.dma_semaphore, #tpu.memory_space<semaphore_mem>>)
      %dma_wait3A = tpu.memref_slice %arg3[%arg0, %mul3A_61] : memref<2x10240xf32, #tpu.memory_space<hbm>> -> memref<1x640xf32, #tpu.memory_space<hbm>>
      %dma_wait3A_64 = tpu.memref_squeeze %dma_wait3A : memref<1x640xf32, #tpu.memory_space<hbm>> -> memref<640xf32, #tpu.memory_space<hbm>>
      %dma_wait3A_65 = tpu.memref_slice %arg9[%mul3A_59] : memref<10240xf32, #tpu.memory_space<vmem_shared>> -> memref<640xf32, #tpu.memory_space<vmem_shared>>
      tpu.wait_dma2 semaphore(%run_scoped3A : memref<!tpu.dma_semaphore, #tpu.memory_space<semaphore_mem>>) src(%dma_wait3A_65 : memref<640xf32, #tpu.memory_space<vmem_shared>>) dst(%dma_wait3A_64 : memref<640xf32, #tpu.memory_space<hbm>>)
      tpu.yield
    }) : () -> ()
    return
  }
}

module attributes {stable_mosaic.version = 14 : i64} {
  func.func @_mm1_body(%arg0: i32, %arg1: memref<2000x128xf32, #tpu.memory_space<vmem>>, %arg2: memref<128x128xf32, #tpu.memory_space<vmem>>, %arg3: memref<2x1x1x2000xf32, #tpu.memory_space<vmem>>, %arg4: memref<2000x128xf32, #tpu.memory_space<vmem>>) attributes {dimension_semantics = [#tpu.dimension_semantics<arbitrary>], iteration_bounds = array<i64: 5>, scalar_prefetch = 0 : i64, scratch_operands = 0 : i64, tpu.core_type = #tpu.core_type<tc>, window_params = [{transform_indices = @transform_0, window_bounds = array<i64: 2000, 128>}, {pipeline_mode = #tpu.pipeline_mode<synchronous>, transform_indices = @transform_1, window_bounds = array<i64: 128, 128>}, {transform_indices = @transform_2, window_bounds = array<i64: 2, 1, 1, 2000>}, {transform_indices = @transform_3, window_bounds = array<i64: 2000, 128>}]} {
    %get3A = arith.constant 0 : index
    %get3A_0 = arith.constant 0 : index
    %get3A_1 = arith.constant 0 : index
    %get3A_2 = arith.constant 0 : index
    %get3A_3 = vector.load %arg3[%get3A, %get3A_0, %get3A_1, %get3A_2] : memref<2x1x1x2000xf32, #tpu.memory_space<vmem>>, vector<1x1x1x2000xf32>
    %get3A_4 = vector.shape_cast %get3A_3 : vector<1x1x1x2000xf32> to vector<2000xf32>
    %get3A_5 = arith.constant 1 : index
    %get3A_6 = arith.constant 0 : index
    %get3A_7 = arith.constant 0 : index
    %get3A_8 = arith.constant 0 : index
    %get3A_9 = vector.load %arg3[%get3A_5, %get3A_6, %get3A_7, %get3A_8] : memref<2x1x1x2000xf32, #tpu.memory_space<vmem>>, vector<1x1x1x2000xf32>
    %get3A_10 = vector.shape_cast %get3A_9 : vector<1x1x1x2000xf32> to vector<2000xf32>
    %add3A = arith.addf %get3A_4, %get3A_10 : vector<2000xf32>
    %add3A_11 = arith.constant 1.000000e+00 : f32
    %add3A_12 = vector.broadcast %add3A_11 : f32 to vector<2000xf32>
    %add3A_13 = arith.addf %add3A, %add3A_12 : vector<2000xf32>
    %rsqrt3A = math.rsqrt %add3A_13 : vector<2000xf32>
    %get3A_14 = arith.constant 0 : index
    %get3A_15 = arith.constant 0 : index
    %get3A_16 = vector.load %arg1[%get3A_14, %get3A_15] : memref<2000x128xf32, #tpu.memory_space<vmem>>, vector<2000x128xf32>
    %get3A_17 = arith.constant 0 : index
    %get3A_18 = arith.constant 0 : index
    %get3A_19 = vector.load %arg2[%get3A_17, %get3A_18] : memref<128x128xf32, #tpu.memory_space<vmem>>, vector<128x128xf32>
    %dot_general3A = arith.constant dense<0.000000e+00> : vector<2000x128xf32>
    %dot_general3A_20 = tpu.matmul %get3A_16, %get3A_19, %dot_general3A {dimension_numbers = #tpu.dot_dimension_numbers<[1], [0], [0], [1], [0, 0, 1, 1], [], []>, transpose_lhs_hint = false} : vector<2000x128xf32>, vector<128x128xf32>, vector<2000x128xf32> -> vector<2000x128xf32>
    %broadcast_in_dim3A = vector.shape_cast %rsqrt3A : vector<2000xf32> to vector<2000x1xf32>
    %mul3A = vector.broadcast %broadcast_in_dim3A : vector<2000x1xf32> to vector<2000x128xf32>
    %mul3A_21 = arith.mulf %dot_general3A_20, %mul3A : vector<2000x128xf32>
    %swap3A = arith.constant 0 : index
    %swap3A_22 = arith.constant 0 : index
    %swap3A_23 = vector.load %arg4[%swap3A, %swap3A_22] : memref<2000x128xf32, #tpu.memory_space<vmem>>, vector<2000x128xf32>
    tpu.vector_store %arg4[%swap3A, %swap3A_22], %mul3A_21 {strides = array<i32>} : memref<2000x128xf32, #tpu.memory_space<vmem>>, vector<2000x128xf32>,
    return
  }
  func.func @transform_0(%arg0: i32) -> (i32, i32) {
    %c0_i32 = arith.constant 0 : i32
    %c0_i32_0 = arith.constant 0 : i32
    return %arg0, %c0_i32 : i32, i32
  }
  func.func @transform_1(%arg0: i32) -> (i32, i32) {
    %c0_i32 = arith.constant 0 : i32
    %c0_i32_0 = arith.constant 0 : i32
    %c0_i32_1 = arith.constant 0 : i32
    return %c0_i32, %c0_i32_0 : i32, i32
  }
  func.func @transform_2(%arg0: i32) -> (i32, i32, i32, i32) {
    %c0_i32 = arith.constant 0 : i32
    %c0_i32_0 = arith.constant 0 : i32
    %c0_i32_1 = arith.constant 0 : i32
    %c0_i32_2 = arith.constant 0 : i32
    return %c0_i32, %arg0, %c0_i32_0, %c0_i32_1 : i32, i32, i32, i32
  }
  func.func @transform_3(%arg0: i32) -> (i32, i32) {
    %c0_i32 = arith.constant 0 : i32
    %c0_i32_0 = arith.constant 0 : i32
    return %arg0, %c0_i32 : i32, i32
  }
}

module attributes {stable_mosaic.version = 14 : i64} {
  func.func @_head_body(%arg0: i32, %arg1: memref<2x2000x128xf32, #tpu.memory_space<vmem>>, %arg2: memref<2000x128xf32, #tpu.memory_space<vmem>>, %arg3: memref<2x1x1x2000xf32, #tpu.memory_space<vmem>>, %arg4: memref<1x128xf32, #tpu.memory_space<vmem>>, %arg5: memref<128x16xf32, #tpu.memory_space<vmem>>, %arg6: memref<1x16xf32, #tpu.memory_space<vmem>>, %arg7: memref<2000x16xf32, #tpu.memory_space<vmem>>) attributes {dimension_semantics = [#tpu.dimension_semantics<arbitrary>], iteration_bounds = array<i64: 5>, scalar_prefetch = 0 : i64, scratch_operands = 0 : i64, tpu.core_type = #tpu.core_type<tc>, window_params = [{transform_indices = @transform_0, window_bounds = array<i64: 2, 2000, 128>}, {transform_indices = @transform_1, window_bounds = array<i64: 2000, 128>}, {transform_indices = @transform_2, window_bounds = array<i64: 2, 1, 1, 2000>}, {pipeline_mode = #tpu.pipeline_mode<synchronous>, transform_indices = @transform_3, window_bounds = array<i64: 1, 128>}, {pipeline_mode = #tpu.pipeline_mode<synchronous>, transform_indices = @transform_4, window_bounds = array<i64: 128, 16>}, {pipeline_mode = #tpu.pipeline_mode<synchronous>, transform_indices = @transform_5, window_bounds = array<i64: 1, 16>}, {transform_indices = @transform_6, window_bounds = array<i64: 2000, 16>}]} {
    %get3A = arith.constant 0 : index
    %get3A_0 = arith.constant 0 : index
    %get3A_1 = arith.constant 0 : index
    %get3A_2 = arith.constant 0 : index
    %get3A_3 = vector.load %arg3[%get3A, %get3A_0, %get3A_1, %get3A_2] : memref<2x1x1x2000xf32, #tpu.memory_space<vmem>>, vector<1x1x1x2000xf32>
    %get3A_4 = vector.shape_cast %get3A_3 : vector<1x1x1x2000xf32> to vector<2000xf32>
    %get3A_5 = arith.constant 1 : index
    %get3A_6 = arith.constant 0 : index
    %get3A_7 = arith.constant 0 : index
    %get3A_8 = arith.constant 0 : index
    %get3A_9 = vector.load %arg3[%get3A_5, %get3A_6, %get3A_7, %get3A_8] : memref<2x1x1x2000xf32, #tpu.memory_space<vmem>>, vector<1x1x1x2000xf32>
    %get3A_10 = vector.shape_cast %get3A_9 : vector<1x1x1x2000xf32> to vector<2000xf32>
    %add3A = arith.addf %get3A_4, %get3A_10 : vector<2000xf32>
    %add3A_11 = arith.constant 1.000000e+00 : f32
    %add3A_12 = vector.broadcast %add3A_11 : f32 to vector<2000xf32>
    %add3A_13 = arith.addf %add3A, %add3A_12 : vector<2000xf32>
    %rsqrt3A = math.rsqrt %add3A_13 : vector<2000xf32>
    %broadcast_in_dim3A = vector.shape_cast %rsqrt3A : vector<2000xf32> to vector<2000x1xf32>
    %get3A_14 = arith.constant 0 : index
    %get3A_15 = arith.constant 0 : index
    %get3A_16 = arith.constant 0 : index
    %get3A_17 = vector.load %arg1[%get3A_14, %get3A_15, %get3A_16] : memref<2x2000x128xf32, #tpu.memory_space<vmem>>, vector<1x2000x128xf32>
    %get3A_18 = vector.shape_cast %get3A_17 : vector<1x2000x128xf32> to vector<2000x128xf32>
    %get3A_19 = arith.constant 1 : index
    %get3A_20 = arith.constant 0 : index
    %get3A_21 = arith.constant 0 : index
    %get3A_22 = vector.load %arg1[%get3A_19, %get3A_20, %get3A_21] : memref<2x2000x128xf32, #tpu.memory_space<vmem>>, vector<1x2000x128xf32>
    %get3A_23 = vector.shape_cast %get3A_22 : vector<1x2000x128xf32> to vector<2000x128xf32>
    %add3A_24 = arith.addf %get3A_18, %get3A_23 : vector<2000x128xf32>
    %get3A_25 = arith.constant 0 : index
    %get3A_26 = arith.constant 0 : index
    %get3A_27 = vector.load %arg2[%get3A_25, %get3A_26] : memref<2000x128xf32, #tpu.memory_space<vmem>>, vector<2000x128xf32>
    %add3A_28 = arith.addf %add3A_24, %get3A_27 : vector<2000x128xf32>
    %mul3A = vector.broadcast %broadcast_in_dim3A : vector<2000x1xf32> to vector<2000x128xf32>
    %mul3A_29 = arith.mulf %add3A_28, %mul3A : vector<2000x128xf32>
    %get3A_30 = arith.constant 0 : index
    %get3A_31 = arith.constant 0 : index
    %get3A_32 = vector.load %arg4[%get3A_30, %get3A_31] : memref<1x128xf32, #tpu.memory_space<vmem>>, vector<1x128xf32>
    %add3A_33 = vector.broadcast %get3A_32 : vector<1x128xf32> to vector<2000x128xf32>
    %add3A_34 = arith.addf %mul3A_29, %add3A_33 : vector<2000x128xf32>
    %max3A = arith.constant 0.000000e+00 : f32
    %max3A_35 = vector.broadcast %max3A : f32 to vector<2000x128xf32>
    %max3A_36 = arith.maximumf %add3A_34, %max3A_35 : vector<2000x128xf32>
    %get3A_37 = arith.constant 0 : index
    %get3A_38 = arith.constant 0 : index
    %get3A_39 = vector.load %arg5[%get3A_37, %get3A_38] : memref<128x16xf32, #tpu.memory_space<vmem>>, vector<128x16xf32>
    %dot_general3A = arith.constant dense<0.000000e+00> : vector<2000x16xf32>
    %dot_general3A_40 = tpu.matmul %max3A_36, %get3A_39, %dot_general3A {dimension_numbers = #tpu.dot_dimension_numbers<[1], [0], [0], [1], [0, 0, 1, 1], [], []>, transpose_lhs_hint = false} : vector<2000x128xf32>, vector<128x16xf32>, vector<2000x16xf32> -> vector<2000x16xf32>
    %get3A_41 = arith.constant 0 : index
    %get3A_42 = arith.constant 0 : index
    %get3A_43 = vector.load %arg6[%get3A_41, %get3A_42] : memref<1x16xf32, #tpu.memory_space<vmem>>, vector<1x16xf32>
    %add3A_44 = vector.broadcast %get3A_43 : vector<1x16xf32> to vector<2000x16xf32>
    %add3A_45 = arith.addf %dot_general3A_40, %add3A_44 : vector<2000x16xf32>
    %max3A_46 = arith.constant 0.000000e+00 : f32
    %max3A_47 = vector.broadcast %max3A_46 : f32 to vector<2000x16xf32>
    %max3A_48 = arith.maximumf %add3A_45, %max3A_47 : vector<2000x16xf32>
    %reduce_max3A = arith.constant dense<0xFF800000> : vector<2000xf32>
    %reduce_max3A_49 = vector.multi_reduction <maximumf>, %max3A_48, %reduce_max3A [1] : vector<2000x16xf32> to vector<2000xf32>
    %broadcast_in_dim3A_50 = vector.shape_cast %reduce_max3A_49 : vector<2000xf32> to vector<2000x1xf32>
    %sub3A = vector.broadcast %broadcast_in_dim3A_50 : vector<2000x1xf32> to vector<2000x16xf32>
    %sub3A_51 = arith.subf %max3A_48, %sub3A : vector<2000x16xf32>
    %exp3A = math.exp %sub3A_51 : vector<2000x16xf32>
    %reduce_sum3A = arith.constant dense<0.000000e+00> : vector<2000xf32>
    %reduce_sum3A_52 = vector.multi_reduction <add>, %exp3A, %reduce_sum3A [1] : vector<2000x16xf32> to vector<2000xf32>
    %broadcast_in_dim3A_53 = vector.shape_cast %reduce_sum3A_52 : vector<2000xf32> to vector<2000x1xf32>
    %log3A = math.log %broadcast_in_dim3A_53 : vector<2000x1xf32>
    %add3A_54 = arith.addf %broadcast_in_dim3A_50, %log3A : vector<2000x1xf32>
    %sub3A_55 = vector.broadcast %add3A_54 : vector<2000x1xf32> to vector<2000x16xf32>
    %sub3A_56 = arith.subf %max3A_48, %sub3A_55 : vector<2000x16xf32>
    %swap3A = arith.constant 0 : index
    %swap3A_57 = arith.constant 0 : index
    %swap3A_58 = vector.load %arg7[%swap3A, %swap3A_57] : memref<2000x16xf32, #tpu.memory_space<vmem>>, vector<2000x16xf32>
    tpu.vector_store %arg7[%swap3A, %swap3A_57], %sub3A_56 {strides = array<i32>} : memref<2000x16xf32, #tpu.memory_space<vmem>>, vector<2000x16xf32>,
    return
  }
  func.func @transform_0(%arg0: i32) -> (i32, i32, i32) {
    %c0_i32 = arith.constant 0 : i32
    %c0_i32_0 = arith.constant 0 : i32
    %c0_i32_1 = arith.constant 0 : i32
    return %c0_i32, %arg0, %c0_i32_0 : i32, i32, i32
  }
  func.func @transform_1(%arg0: i32) -> (i32, i32) {
    %c0_i32 = arith.constant 0 : i32
    %c0_i32_0 = arith.constant 0 : i32
    return %arg0, %c0_i32 : i32, i32
  }
  func.func @transform_2(%arg0: i32) -> (i32, i32, i32, i32) {
    %c0_i32 = arith.constant 0 : i32
    %c0_i32_0 = arith.constant 0 : i32
    %c0_i32_1 = arith.constant 0 : i32
    %c0_i32_2 = arith.constant 0 : i32
    return %c0_i32, %arg0, %c0_i32_0, %c0_i32_1 : i32, i32, i32, i32
  }
  func.func @transform_3(%arg0: i32) -> (i32, i32) {
    %c0_i32 = arith.constant 0 : i32
    %c0_i32_0 = arith.constant 0 : i32
    %c0_i32_1 = arith.constant 0 : i32
    return %c0_i32, %c0_i32_0 : i32, i32
  }
  func.func @transform_4(%arg0: i32) -> (i32, i32) {
    %c0_i32 = arith.constant 0 : i32
    %c0_i32_0 = arith.constant 0 : i32
    %c0_i32_1 = arith.constant 0 : i32
    return %c0_i32, %c0_i32_0 : i32, i32
  }
  func.func @transform_5(%arg0: i32) -> (i32, i32) {
    %c0_i32 = arith.constant 0 : i32
    %c0_i32_0 = arith.constant 0 : i32
    %c0_i32_1 = arith.constant 0 : i32
    return %c0_i32, %c0_i32_0 : i32, i32
  }
  func.func @transform_6(%arg0: i32) -> (i32, i32) {
    %c0_i32 = arith.constant 0 : i32
    %c0_i32_0 = arith.constant 0 : i32
    return %arg0, %c0_i32 : i32, i32
  }
}

</mosaic_0001>

<sc_bundles>
// kernel: kernel.6.cloned.1.call-start
scs
__scs_entry_jumppad:
0x0: {  	(pc) =	sbr.rel $0x88, $3  }
0x1: {  	(tag) =	ssettag $0x0;
	lr =	simm.s32 $0x1  }
0x2: {  	[smem:$0x3F9B] =	sst lr;
	_ =	strace $0xD0000000  }
0x3: {  	_ = 	snop  }
0x4: {  	_ = 	snop  }
0x5: {  	_ = 	snop  }
0x6: {  	_ = 	snop  }
0x7: {  	_ = 	snop  }
__scs_overlays_trampoline_lowered:
0x8: {  	[smem:$0x3FAA] =	sst s0  }
0x9: {  	[smem:$0x3FAB] =	sst s1  }
0xa: {  	[smem:$0x3FAC] =	sst s2  }
0xb: {  	[smem:$0x3FAD] =	sst s3  }
0xc: {  	[smem:$0x3FAE] =	sst s4  }
0xd: {  	[smem:$0x3FAF] =	sst s5  }
0xe: {  	[smem:$0x3FB0] =	sst s6  }
0xf: {  	[smem:$0x3FB1] =	sst s7  }
0x10: {  	[smem:$0x3FB2] =	sst s8  }
0x11: {  	[smem:$0x3FB3] =	sst s9;
	s0 =	simm.s32 @!p0 $0x0  }
0x12: {  	s1 =	sld [smem:$0x3F99];
	s0 =	simm.s32 @p0 $0x1  }
0x13: {  	[smem:$0x3FB4] =	sst s0;
	s0 =	simm.s32 @!p1 $0x0  }
0x14: {  	s2 =	sld [smem:$0x3F98];
	s0 =	simm.s32 @p1 $0x1  }
0x15: {  	[smem:$0x3FB5] =	sst s0;
	s0 =	simm.s32 @!p2 $0x0  }
0x16: {  	s3 =	sld [smem:$0x3FDB];
	s0 =	simm.s32 @p2 $0x1  }
0x17: {  	s4 =	simm.s32 $0x1BF5;
	[smem:$0x3FB7] =	sst s0  }
0x18: {  	s0 =	sld [smem:$0x3F9A];
	_ =	swait.ge [sflag:s4], $0x0  }
0x19: {  	s7 =	sld [smem:$0x3F9B]  }
0x1a: {  	s8 =	sadd.s32 $0xFFFFE003, lr  }
0x1b: {  	s9 =	sadd.s32 $0xFFFFFEF7, lr;
	s5 =	simm.s32 $0xFFFFFFFF;
	p2 =	slt.u32 s8, $0xFFFFF086  }
0x1c: {  	p1 =	slt.u32 s9, $0xF7A;
	s5 =	simm.s32 @!p2 $0x0  }
0x1d: {  	s5 =	simm.s32 @p1 $0x1;
	p0 =	seq.s32 s7, s2  }
0x1e: {  	s7 =	smul.u32 @!p0 $0xF7A, s2;
	p2 =	seq.s32 @!p0 s5, $0x0  }
0x1f: {  	s9 =	smul.u32 $0xF7A, s1;
	s8 =	simm.s32 @!p0 $0x1BF5;
	p2 =	por !p2, p0  }
0x20: {  	[sflag:s8] =	ssyncset.s32 @!p0 $0xFFFFF086;
	s6 =	sadd.s32 @!p0 s3, s7;
	s7 =	simm.s32 @!p0 $0x108  }
0x21: {  	s3 =	sadd.s32 s3, s9;
	s6 =	sadd.s32 @!p0 $0x88, s6;
	s7 =	simm.s32 @p2 $0x1082  }
0x22: {  	[simem:s7], [sflag:s8] =	dma.local @!p0 [hbm:s6], $0xF7A  }
0x23: {  	s9 =	sor.u32 $0xD0000000, s2;
	s6 =	simm.s32 $0x108;
	_ =	swait.ge @!p0 [sflag:s8], $0x0  }
0x24: {  	s3 =	sadd.s32 $0x88, s3;
	s6 =	simm.s32 @!p1 $0x1082;
	[sflag:s4] =	ssyncset.s32 $0xFFFFF086  }
0x25: {  	[simem:s6], [sflag:s4] =	dma.local [hbm:s3], $0xF7A  }
0x26: {  	[smem:$0x3F9B] =	sst s1;
	(tag) =	ssettag s2;
	_ =	strace s9  }
0x27: {  	s1 =	sld [smem:$0x3FAB]  }
0x28: {  	s2 =	sld [smem:$0x3FAC]  }
0x29: {  	s4 =	sld [smem:$0x3FAE]  }
0x2a: {  	p0 =	seq.s32 s5, $0x0;
	s5 =	sld [smem:$0x3FAF]  }
0x2b: {  	s6 =	sld [smem:$0x3FB0]  }
0x2c: {  	s7 =	sld [smem:$0x3FB1]  }
0x2d: {  	s3 =	simm.s32 $0x108;
	s8 =	sld [smem:$0x3FB2]  }
0x2e: {  	s3 =	simm.s32 @!p0 $0x1082;
	s9 =	sld [smem:$0x3FB3]  }
0x2f: {  	lr =	sadd.s32 s0, s3;
	s0 =	sld [smem:$0x3FAA]  }
0x30: {  	s3 =	sld [smem:$0x3FAD]  }
0x31: {  	[smem:$0x3FB6] =	sst s10  }
0x32: {  	s10 =	sld [smem:$0x3FB4];
	_ =	sdelay $0x3  }
0x33: {  	p0 =	seq.s32 s10, $0x1;
	s10 =	sld [smem:$0x3FB6];
	_ =	sdelay $0x3  }
0x34: {  	[smem:$0x3FB6] =	sst s10  }
0x35: {  	s10 =	sld [smem:$0x3FB5];
	_ =	sdelay $0x3  }
0x36: {  	p1 =	seq.s32 s10, $0x1;
	s10 =	sld [smem:$0x3FB6];
	_ =	sdelay $0x3  }
0x37: {  	[smem:$0x3FB6] =	sst s10  }
0x38: {  	s10 =	sld [smem:$0x3FB7]  }
0x39: {  	_ = 	snop;
	(pc) =	sbr.ind lr, $3  }
0x3a: {  	_ = 	snop  }
0x3b: {  	_ = 	snop  }
0x3c: {  	p2 =	seq.s32 s10, $0x1;
	s10 =	sld [smem:$0x3FB6]  }
0x3d: {  	_ =	shalt  }
0x3e: {  	_ =	shalt  }
0x3f: {  	_ =	shalt  }
0x40: {  	_ =	shalt  }
0x41: {  	_ =	shalt  }
0x42: {  	_ =	shalt  }
0x43: {  	_ =	shalt  }
0x44: {  	_ =	shalt  }
0x45: {  	_ =	shalt  }
0x46: {  	_ =	shalt  }
0x47: {  	_ =	shalt  }
0x48: {  	_ =	shalt  }
0x49: {  	_ =	shalt  }
0x4a: {  	_ =	shalt  }
0x4b: {  	_ =	shalt  }
0x4c: {  	_ =	shalt  }
0x4d: {  	_ =	shalt  }
0x4e: {  	_ =	shalt  }
0x4f: {  	_ =	shalt  }
0x50: {  	_ =	shalt  }
0x51: {  	_ =	shalt  }
0x52: {  	_ =	shalt  }
0x53: {  	_ =	shalt  }
0x54: {  	_ =	shalt  }
0x55: {  	_ =	shalt  }
0x56: {  	_ =	shalt  }
0x57: {  	_ =	shalt  }
0x58: {  	_ =	shalt  }
0x59: {  	_ =	shalt  }
0x5a: {  	_ =	shalt  }
0x5b: {  	_ =	shalt  }
0x5c: {  	_ =	shalt  }
0x5d: {  	_ =	shalt  }
0x5e: {  	_ =	shalt  }
0x5f: {  	_ =	shalt  }
0x60: {  	_ =	shalt  }
0x61: {  	_ =	shalt  }
0x62: {  	_ =	shalt  }
0x63: {  	_ =	shalt  }
0x64: {  	_ =	shalt  }
0x65: {  	_ =	shalt  }
0x66: {  	_ =	shalt  }
0x67: {  	_ =	shalt  }
0x68: {  	_ =	shalt  }
0x69: {  	_ =	shalt  }
0x6a: {  	_ =	shalt  }
0x6b: {  	_ =	shalt  }
0x6c: {  	_ =	shalt  }
0x6d: {  	_ =	shalt  }
0x6e: {  	_ =	shalt  }
0x6f: {  	_ =	shalt  }
0x70: {  	_ =	shalt  }
0x71: {  	_ =	shalt  }
0x72: {  	_ =	shalt  }
0x73: {  	_ =	shalt  }
0x74: {  	_ =	shalt  }
0x75: {  	_ =	shalt  }
0x76: {  	_ =	shalt  }
0x77: {  	_ =	shalt  }
0x78: {  	_ =	shalt  }
0x79: {  	_ =	shalt  }
0x7a: {  	_ =	shalt  }
0x7b: {  	_ =	shalt  }
0x7c: {  	_ =	shalt  }
0x7d: {  	_ =	shalt  }
0x7e: {  	_ =	shalt  }
0x7f: {  	_ =	shalt  }
0x80: {  	_ =	shalt  }
0x81: {  	_ =	shalt  }
0x82: {  	_ =	shalt  }
0x83: {  	_ =	shalt  }
0x84: {  	_ =	shalt  }
0x85: {  	_ =	shalt  }
0x86: {  	_ =	shalt  }
0x87: {  	_ =	shalt  }
.Lfunc_end0:
.L_simem_size_0:
called_computation_lowered:
.L_overlay_start_0:
0x88: {  	s2 =	sld [smem:$0x3FD9]  }
0x89: {  	s3 =	sld [smem:$0x3FFE];
	_ =	sdelay $0x1  }
0x8a: {  	s1 =	srdreg.scid  }
0x8b: {  	s0 =	sand.u32 $0x1, s1  }
0x8c: {  	s18 =	sshll.u32 s0, $0xA;
	s2 =	sadd.s32 s3, s2  }
0x8d: {  	s2 =	sadd.s32 s2, s18  }
0x8e: {  	[smem:$0x3FC2] =	sst s2  }
0x8f: {  	_ = 	snop  }
0x90: {  	s2 =	sld [smem:$0x3FC8]  }
0x91: {  	s19 =	sld [smem:$0x3FD0];
	(tm) =	ssettm $0x1  }
0x92: {  	s4 =	sld [smem:$0x3FFB];
	_ =	sdelay $0x3  }
0x93: {  	_ =	strace s4  }
0x94: {  	s4 =	sld [smem:$0x3FFC];
	_ =	sdelay $0x3  }
0x95: {  	_ =	strace s4  }
0x96: {  	s4 =	sld [smem:$0x3FFD];
	_ =	sdelay $0x3  }
0x97: {  	_ =	strace s4  }
0x98: {  	_ =	strace $0x8FFFFFFF  }
0x99: {  	s20 =	sld [smem:$0x3FDB];
	_ =	sdelay $0x1  }
0x9a: {  	s5 =	simm.s32 $_scs_section_size  }
0x9b: {  	s6 =	simm.s32 $_size__tile_overlayer_lowered;
	s7 =	simm.s32 $_tile_overlayer_lowered  }
0x9c: {  	s23 =	simm.s32 $0x1BFF;
	s22 =	sshll.u32 s7, $0x1;
	s4 =	sadd.s32 s5, s20  }
0x9d: {  	s8 =	simm.s32 $0x0;
	s21 =	sshll.u32 s6, $0x1;
	s6 =	sadd.s32 s22, s4  }
0x9e: {  	[timem:s8], [sflag:s23] =	dma.local [hbm:s6], s21  }
0x9f: {  	_ =	swait.ge [sflag:s23], s21  }
0xa0: {  	s5 =	ssub.s32 $0x0, s21;
	[sflag:s23] =	ssyncset.done $0x0  }
0xa1: {  	[sflag:s23] =	ssyncadd.s32 s5;
	_ =	sdelay $0x1  }
0xa2: {  	s24 =	simm.s32 $0x1B8B  }
0xa3: {  	_ =	swait.ge [sflag:s24], $0x1  }
0xa4: {  	[sflag:s24] =	ssyncset.done $0x0  }
0xa5: {  	s25 =	simm.s32 $0x1B8E;
	[sflag:s24] =	ssyncadd.s32 $0xFFFFFFFF  }
0xa6: {  	s26 =	simm.s32 $execute0_lowered;
	[smem:$0x3FD2] =	sst s25  }
0xa7: {  	s5 =	sshll.u32 s26, $0x1;
	_ =	strace $0x80000046;
	[dreg:$0x1] =	wrdreg $0xFFFFFFFF  }
0xa8: {  	s28 =	simm.s32 $_size_execute0_lowered;
	s4 =	sadd.s32 s4, s5;
	[dreg:$0x0] =	wrdreg $0x0  }
0xa9: {  	s5 =	sshll.u32 s28, $0x1;
	[dreg:$0x2] =	wrdreg s4  }
0xaa: {  	[dreg:$0x3] =	wrdreg s5  }
0xab: {  	[dreg:$0x4] =	wrdreg $0xC0  }
0xac: {  	_ =	task [dreg:s8], $0x5FFFF  }
0xad: {  	[dreg:$0x1] =	wrdreg $0xFFFFFFFF  }
0xae: {  	[dreg:$0x0] =	wrdreg $0x60  }
0xaf: {  	[dreg:$0x2] =	wrdreg s2  }
0xb0: {  	[dreg:$0x3] =	wrdreg s19  }
0xb1: {  	[dreg:$0x4] =	wrdreg $0x52000  }
0xb2: {  	[dreg:$0x5] =	wrdreg $0x9  }
0xb3: {  	_ =	task.clear_ibuf [dreg:s8], $0x6FFFF;
	_ =	strace $0x90000046  }
0xb4: {  	s29 =	simm.s32 $0x9;
	_ =	strace $0x80000048  }
0xb5: {  	_ =	swait.ge [sflag:s29], $0x1  }
0xb6: {  	[sflag:s29] =	ssyncadd.s32 $0xFFFFFFFF  }
0xb7: {  	_ =	strace $0x90000048  }
0xb8: {  	_ =	sfence  }
0xb9: {  	s30 =	sld [smem:$0x0];
	_ =	sdelay $0x2  }
0xba: {  	s31 =	sshll.u32 s1, $0xD;
	s1 =	sshrl.u32 s1, $0x2  }
0xbb: {  	s3 =	sand.u32 $0x4000, s31;
	s1 =	sadd.s32 s1, s30  }
0xbc: {  	s0 =	sor.u32 s3, s0;
	s1 =	sshll.u32 s1, $0x11  }
0xbd: {  	s0 =	sor.u32 s1, s0  }
0xbe: {  	s0 =	sadd.s32 $0x8F2B, s0  }
0xbf: {  	[sflag:s0] =	ssyncadd.remote.s32 $0x1  }
0xc0: {  	_ =	sfence.sel $0xFFFF  }
0xc1: {  	[dreg:$0x0] =	wrdreg $0xFFFFFFFF;
	(pc) =	sbr.abs _section_cstart, $3  }
0xc2: {  	[dreg:$0x1] =	wrdreg $0xFFFFFFFF  }
0xc3: {  	_ =	task.clear_ibuf [dreg:s8], $0x2FFFF;
	_ =	strace $0x9FFFFFFF  }
0xc4: {  	(tm) =	ssettm $0x7FFFFFFF  }
0xc5: {  	_ =	shalt  }
tec
execute0_lowered:
.L_overlay_start_1:
0x0: {  	(tag) =	ssettag $0x1  }
0x1: {  	s8 =	rddreg [dreg:$0x0]  }
0x2: {  	s6 =	rddreg [dreg:$0x1]  }
0x3: {  	s1 =	rddreg [dreg:$0x2]  }
0x4: {  	s0 =	rddreg [dreg:$0x3];
	s3 =	simm.s32 $0x0  }
0x5: {  	s2 =	srdreg.scid;
	s13 =	simm.s32 $0x4F00;
	s14 =	simm.s32 $0x2  }
0x6: {  	s15 =	simm.s32 $0x20;
	s16 =	simm.s32 $0x10;
	s17 =	simm.s32 $0x0  }
0x7: {  	[smem:$0x7FF] =	sst s3;
	s5 =	sand.u32 $0x1, s2;
	s2 =	stileid.u32  }
0x8: {  	s7 =	ssub.s32 $0x2, s5;
	s4 =	sshll.u32 s5, $0x4;
	s10 =	smul.u32 $0xA00, s2  }
0x9: {  	_ =	strace $0x80000047;
	s29 =	smul.u32 $0x500, s2;
	s11 =	sshll.u32 s5, $0x7  }
0xa: {  	s5 =	sshll.u32 s5, $0xC;
	s12 =	sshll.u32 s2, $0x8;
	s9 =	sshrl.u32 s7, $0x1  }
0xb: {  	s4 =	sor.u32 s2, s4;
	s30 =	sor.u32 s12, s5;
	s12 =	simm.s32 $0x80  }
0xc: {  	p0 =	slt.u32 s4, $0x4;
	s4 =	simm.s32 $0x4F;
	s7 =	ssub.s32 s7, s9  }
0xd: {  	s10 =	sshrl.u32 s10, $0x2;
	s9 =	sor.u32 s11, s29;
	s31 =	sshrl.u32 s30, $0x3  }
0xe: {  	s11 =	simm.s32 $0x1;
	s4 =	simm.s32 @!p0 $0x4E;
	s5 =	sadd.s32 s10, s1  }
0xf: {  	s9 =	sshrl.u32 s9, $0x3;
	s7 =	smax.u32 s7, $0x1;
	s8 =	sadd.s32 s31, s8  }
0x10: {  	v0 =	vimm.f32 $1.000000000e+00;
	v1 =	vimm.f32 $0.0e+00;
	s10 =	simm.s32 $0x3;
	s6 =	sadd.s32 s6, s9;
	s9 =	simm.s32 $0x4F80  }
.LBB2_1:
0x11: {  	[tilespmem:$0x4F00] =	vst v0  }
0x12: {  	[tilespmem:$0x4F10] =	vst v0  }
0x13: {  	[tilespmem:$0x4F20] =	vst v0  }
0x14: {  	[tilespmem:$0x4F30] =	vst v0  }
0x15: {  	[tilespmem:$0x4F40] =	vst v0  }
0x16: {  	[tilespmem:$0x4F50] =	vst v0  }
0x17: {  	[tilespmem:$0x4F60] =	vst v0  }
0x18: {  	[tilespmem:$0x4F70] =	vst v0  }
0x19: {  	[tilespmem:$0x4F80] =	vst v1  }
0x1a: {  	[tilespmem:$0x4F90] =	vst v1  }
0x1b: {  	[tilespmem:$0x4FA0] =	vst v1  }
0x1c: {  	[tilespmem:$0x4FB0] =	vst v1  }
0x1d: {  	[tilespmem:$0x4FC0] =	vst v1  }
0x1e: {  	[tilespmem:$0x4FD0] =	vst v1  }
0x1f: {  	[tilespmem:$0x4FE0] =	vst v1  }
0x20: {  	[tilespmem:$0x4FF0] =	vst v1  }
0x21: {  	[tilespmem:$0x5000] =	vst v1  }
0x22: {  	[tilespmem:$0x5010] =	vst v1  }
0x23: {  	[tilespmem:$0x5020] =	vst v1  }
0x24: {  	[tilespmem:$0x5030] =	vst v1  }
0x25: {  	[tilespmem:$0x5040] =	vst v1  }
0x26: {  	[tilespmem:$0x5050] =	vst v1  }
0x27: {  	[tilespmem:$0x5060] =	vst v1  }
0x28: {  	[tilespmem:$0x5070] =	vst v1  }
0x29: {  	[tilespmem:$0x5080] =	vst v1  }
0x2a: {  	[tilespmem:$0x5090] =	vst v1  }
0x2b: {  	[tilespmem:$0x50A0] =	vst v1  }
0x2c: {  	[tilespmem:$0x50B0] =	vst v1  }
0x2d: {  	[tilespmem:$0x50C0] =	vst v1  }
0x2e: {  	[tilespmem:$0x50D0] =	vst v1  }
0x2f: {  	[tilespmem:$0x50E0] =	vst v1  }
0x30: {  	[tilespmem:$0x50F0] =	vst v1  }
0x31: {  	[tilespmem:$0x5100] =	vst v1  }
0x32: {  	[tilespmem:$0x5110] =	vst v1  }
0x33: {  	[tilespmem:$0x5120] =	vst v1  }
0x34: {  	[tilespmem:$0x5130] =	vst v1  }
0x35: {  	[tilespmem:$0x5140] =	vst v1  }
0x36: {  	[tilespmem:$0x5150] =	vst v1  }
0x37: {  	[tilespmem:$0x5160] =	vst v1  }
0x38: {  	[tilespmem:$0x5170] =	vst v1  }
0x39: {  	[tilespmem:$0x5180] =	vst v1  }
0x3a: {  	[tilespmem:$0x5190] =	vst v1  }
0x3b: {  	[tilespmem:$0x51A0] =	vst v1  }
0x3c: {  	[tilespmem:$0x51B0] =	vst v1;
	p0 =	sne.s32 s4, $0x1  }
.Ltmp0:
0x3d: {  	[tilespmem:$0x51C0] =	vst v1;
	(pc) =	sbr.rel @!p0 .LBB2_3-.Ltmp0, $4  }
0x3e: {  	[tilespmem:$0x51D0] =	vst v1  }
0x3f: {  	[tilespmem:$0x51E0] =	vst v1  }
0x40: {  	[tilespmem:$0x51F0] =	vst v1;
	s18 =	sadd.s32 $0xFFFFFFFF, s4;
	s19 =	smov.u32 s8;
	s20 =	simm.s32 $0x0  }
0x41: {  	[tilespmem:s3], [sflag:$0x1] =	stream.linear.gather [hbm4b:s8+s3], $0x100, $0x38;
	[tilespmem:$0x5480] =	vst v63  }
.LBB2_2:
0x42: {  	p1 =	sne.s32 s18, $0x1  }
.Ltmp1:
0x43: {  	_ = 	snop;
	(pc) =	sbr.rel @p1 .LBB2_2-.Ltmp1, $4  }
0x44: {  	_ = 	snop  }
0x45: {  	s19 =	sadd.s32 $0x400, s19;
	s20 =	sadd.s32 $0x100, s20  }
0x46: {  	s18 =	sadd.s32 $0xFFFFFFFF, s18  }
0x47: {  	[tilespmem:s20], [sflag:$0x1] =	stream.linear.gather [hbm4b:s19+s3], $0x100, $0x38;
	[tilespmem:$0x5480] =	vst v63  }
.LBB2_3:
0x48: {  	[spmem:s5] =	stream.linear.scatter [tilespmem:s9], [sflag:$0x3], $0x280, $0x38;
	[tilespmem:$0x5480] =	vst v63  }
.Ltmp2:
0x49: {  	_ =	swait.ge [sflag:s10], $0x280;
	(pc) =	sbr.rel @!p0 .LBB2_5-.Ltmp2, $4  }
0x4a: {  	[sflag:s10] =	ssyncset.done $0x0  }
0x4b: {  	[sflag:s10] =	ssyncadd.s32 $0xFFFFFD80  }
0x4c: {  	_ =	swait.ge [sflag:s11], $0x100  }
0x4d: {  	s18 =	sadd.s32 $0xFFFFFFFF, s4;
	[sflag:s11] =	ssyncset.done $0x0  }
.LBB2_4:
0x4e: {  	p1 =	sne.s32 s18, $0x1;
	s18 =	sadd.s32 $0xFFFFFFFF, s18;
	[sflag:s11] =	ssyncadd.s32 $0xFFFFFF00  }
.Ltmp3:
0x4f: {  	(pc) =	sbr.rel @p1 .LBB2_4-.Ltmp3, $3  }
0x50: {  	_ =	sdelay $0x1  }
0x51: {  	_ =	swait.ge [sflag:s11], $0x100  }
0x52: {  	[sflag:s11] =	ssyncset.done $0x0  }
.LBB2_5:
.Ltmp4:
0x53: {  	(pc) =	sbr.rel @!p0 .LBB2_7-.Ltmp4, $4  }
0x54: {  	_ = 	snop  }
0x55: {  	[sflag:s11] =	ssyncadd.s32 $0xFFFFFF00  }
0x56: {  	s18 =	simm.s32 $0x80;
	s19 =	sadd.s32 $0xFFFFFFFF, s4;
	[bflag:$0x0] =	sbarrier.arrive $0xFFFF  }
0x57: {  	[spmem:s1] =	stream.indirect.scatter.add.f32 [tilespmem:s13], [sflag:$0x2], $0x1, s18, s12, $0xb8;
	[tilespmem:$0x5480] =	vst v63  }
.LBB2_6:
0x58: {  	p1 =	sne.s32 s19, $0x1  }
.Ltmp5:
0x59: {  	_ = 	snop;
	(pc) =	sbr.rel @p1 .LBB2_6-.Ltmp5, $3  }
0x5a: {  	_ = 	snop  }
0x5b: {  	s19 =	sadd.s32 $0xFFFFFFFF, s19;
	s18 =	sadd.s32 $0x100, s18;
	_ =	sdelay $0x1  }
0x5c: {  	[spmem:s1] =	stream.indirect.scatter.add.f32 [tilespmem:s13], [sflag:$0x2], $0x1, s18, s12, $0xb8;
	[tilespmem:$0x5480] =	vst v63  }
.LBB2_7:
.Ltmp6:
0x5d: {  	(pc) =	sbr.rel @!p0 .LBB2_9-.Ltmp6, $3  }
0x5e: {  	_ =	sdelay $0x1  }
0x5f: {  	_ =	swait.ge [sflag:s14], $0x80  }
0x60: {  	s18 =	sadd.s32 $0xFFFFFFFF, s4;
	[sflag:s14] =	ssyncset.done $0x0  }
.LBB2_8:
0x61: {  	p0 =	sne.s32 s18, $0x1;
	s18 =	sadd.s32 $0xFFFFFFFF, s18;
	[sflag:s14] =	ssyncadd.s32 $0xFFFFFF80  }
.Ltmp7:
0x62: {  	(pc) =	sbr.rel @p0 .LBB2_8-.Ltmp7, $3  }
0x63: {  	_ =	sdelay $0x1  }
0x64: {  	_ =	swait.ge [sflag:s14], $0x80  }
0x65: {  	[sflag:s14] =	ssyncset.done $0x0  }
.LBB2_9:
0x66: {  	[sflag:s14] =	ssyncadd.s32 $0xFFFFFF80;
	s17 =	sadd.s32 $0x1, s17  }
0x67: {  	s18 =	sshll.u32 s2, $0x6;
	s19 =	sshrl.u32 s5, $0x3;
	p0 =	sne.s32 s17, s7  }
.Ltmp8:
0x68: {  	[bflag:$0x0] =	sbarrier.arrive $0xFFFF;
	s18 =	sor.u32 $0x1C03, s18;
	(pc) =	sbr.rel @p0 .LBB2_1-.Ltmp8, $4  }
0x69: {  	[hbm:s6@s15], [sflag:s18] =	dma.strided [spmem:s19@s16], $0x50, s11, $0x10   }
0x6a: {  	_ =	swait.ge [sflag:s10], $0x50  }
0x6b: {  	[sflag:s10] =	ssyncset.done $0x0  }
0x6c: {  	[sflag:s10] =	ssyncadd.s32 $0xFFFFFFB0  }
0x6d: {  	_ =	sfence.sel $0x180000  }
0x6e: {  	[bflag:$0x0] =	sbarrier.arrive $0xFFFF  }
0x6f: {  	p0 =	sne.s32 s2, $0x0;
	_ =	strace $0x90000047  }
0x70: {  	s0 =	sadd.s32 @!p0 $0x100000, s0;
	[bflag:$0x2] =	sbarrier.arrive $0xFFFF  }
0x71: {  	[sflag:s0] =	ssyncadd.tile.s32 @!p0 $0x1;
	_ =	shalt  }
.Lfunc_end2:
_tile_overlayer_lowered:
.L_overlay_start_2:
0x72: {  	(tag) =	ssettag $0x2  }
0x73: {  	s0 =	rddreg [dreg:$0x0];
	s2 =	stileid.u32  }
0x74: {  	s1 =	rddreg [dreg:$0x1];
	p0 =	sne.s32 s2, $0x0  }
0x75: {  	s3 =	rddreg [dreg:$0x2];
	[bflag:$0x3] =	sbarrier.arrive $0xFFFF;
	s2 =	simm.s32 @!p0 $0x1C03  }
0x76: {  	[timem:s3], [sflag:s2] =	dma.local @!p0 [hbm:s0], s1  }
0x77: {  	s0 =	simm.s32 @!p0 $0x3  }
0x78: {  	_ =	swait.ge @!p0 [sflag:s0], s1  }
0x79: {  	s1 =	ssub.s32 @!p0 $0x0, s1;
	[sflag:s0] =	ssyncset.done @!p0 $0x0  }
0x7a: {  	[sflag:s0] =	ssyncadd.s32 @!p0 s1  }
0x7b: {  	[bflag:$0x3] =	sbarrier.arrive $0xFFFF  }
0x7c: {  	_ =	shalt  }

// kernel: kernel.9.cloned.1.call-start
scs
__scs_entry_jumppad:
0x0: {  	(pc) =	sbr.rel $0x88, $3  }
0x1: {  	(tag) =	ssettag $0x0;
	lr =	simm.s32 $0x1  }
0x2: {  	[smem:$0x3F9B] =	sst lr;
	_ =	strace $0xD0000000  }
0x3: {  	_ = 	snop  }
0x4: {  	_ = 	snop  }
0x5: {  	_ = 	snop  }
0x6: {  	_ = 	snop  }
0x7: {  	_ = 	snop  }
__scs_overlays_trampoline_lowered:
0x8: {  	[smem:$0x3FAA] =	sst s0  }
0x9: {  	[smem:$0x3FAB] =	sst s1  }
0xa: {  	[smem:$0x3FAC] =	sst s2  }
0xb: {  	[smem:$0x3FAD] =	sst s3  }
0xc: {  	[smem:$0x3FAE] =	sst s4  }
0xd: {  	[smem:$0x3FAF] =	sst s5  }
0xe: {  	[smem:$0x3FB0] =	sst s6  }
0xf: {  	[smem:$0x3FB1] =	sst s7  }
0x10: {  	[smem:$0x3FB2] =	sst s8  }
0x11: {  	[smem:$0x3FB3] =	sst s9;
	s0 =	simm.s32 @!p0 $0x0  }
0x12: {  	s1 =	sld [smem:$0x3F99];
	s0 =	simm.s32 @p0 $0x1  }
0x13: {  	[smem:$0x3FB4] =	sst s0;
	s0 =	simm.s32 @!p1 $0x0  }
0x14: {  	s2 =	sld [smem:$0x3F98];
	s0 =	simm.s32 @p1 $0x1  }
0x15: {  	[smem:$0x3FB5] =	sst s0;
	s0 =	simm.s32 @!p2 $0x0  }
0x16: {  	s3 =	sld [smem:$0x3FDB];
	s0 =	simm.s32 @p2 $0x1  }
0x17: {  	s4 =	simm.s32 $0x1BF5;
	[smem:$0x3FB7] =	sst s0  }
0x18: {  	s0 =	sld [smem:$0x3F9A];
	_ =	swait.ge [sflag:s4], $0x0  }
0x19: {  	s7 =	sld [smem:$0x3F9B]  }
0x1a: {  	s8 =	sadd.s32 $0xFFFFE003, lr  }
0x1b: {  	s9 =	sadd.s32 $0xFFFFFEF7, lr;
	s5 =	simm.s32 $0xFFFFFFFF;
	p2 =	slt.u32 s8, $0xFFFFF086  }
0x1c: {  	p1 =	slt.u32 s9, $0xF7A;
	s5 =	simm.s32 @!p2 $0x0  }
0x1d: {  	s5 =	simm.s32 @p1 $0x1;
	p0 =	seq.s32 s7, s2  }
0x1e: {  	s7 =	smul.u32 @!p0 $0xF7A, s2;
	p2 =	seq.s32 @!p0 s5, $0x0  }
0x1f: {  	s9 =	smul.u32 $0xF7A, s1;
	s8 =	simm.s32 @!p0 $0x1BF5;
	p2 =	por !p2, p0  }
0x20: {  	[sflag:s8] =	ssyncset.s32 @!p0 $0xFFFFF086;
	s6 =	sadd.s32 @!p0 s3, s7;
	s7 =	simm.s32 @!p0 $0x108  }
0x21: {  	s3 =	sadd.s32 s3, s9;
	s6 =	sadd.s32 @!p0 $0x88, s6;
	s7 =	simm.s32 @p2 $0x1082  }
0x22: {  	[simem:s7], [sflag:s8] =	dma.local @!p0 [hbm:s6], $0xF7A  }
0x23: {  	s9 =	sor.u32 $0xD0000000, s2;
	s6 =	simm.s32 $0x108;
	_ =	swait.ge @!p0 [sflag:s8], $0x0  }
0x24: {  	s3 =	sadd.s32 $0x88, s3;
	s6 =	simm.s32 @!p1 $0x1082;
	[sflag:s4] =	ssyncset.s32 $0xFFFFF086  }
0x25: {  	[simem:s6], [sflag:s4] =	dma.local [hbm:s3], $0xF7A  }
0x26: {  	[smem:$0x3F9B] =	sst s1;
	(tag) =	ssettag s2;
	_ =	strace s9  }
0x27: {  	s1 =	sld [smem:$0x3FAB]  }
0x28: {  	s2 =	sld [smem:$0x3FAC]  }
0x29: {  	s4 =	sld [smem:$0x3FAE]  }
0x2a: {  	p0 =	seq.s32 s5, $0x0;
	s5 =	sld [smem:$0x3FAF]  }
0x2b: {  	s6 =	sld [smem:$0x3FB0]  }
0x2c: {  	s7 =	sld [smem:$0x3FB1]  }
0x2d: {  	s3 =	simm.s32 $0x108;
	s8 =	sld [smem:$0x3FB2]  }
0x2e: {  	s3 =	simm.s32 @!p0 $0x1082;
	s9 =	sld [smem:$0x3FB3]  }
0x2f: {  	lr =	sadd.s32 s0, s3;
	s0 =	sld [smem:$0x3FAA]  }
0x30: {  	s3 =	sld [smem:$0x3FAD]  }
0x31: {  	[smem:$0x3FB6] =	sst s10  }
0x32: {  	s10 =	sld [smem:$0x3FB4];
	_ =	sdelay $0x3  }
0x33: {  	p0 =	seq.s32 s10, $0x1;
	s10 =	sld [smem:$0x3FB6];
	_ =	sdelay $0x3  }
0x34: {  	[smem:$0x3FB6] =	sst s10  }
0x35: {  	s10 =	sld [smem:$0x3FB5];
	_ =	sdelay $0x3  }
0x36: {  	p1 =	seq.s32 s10, $0x1;
	s10 =	sld [smem:$0x3FB6];
	_ =	sdelay $0x3  }
0x37: {  	[smem:$0x3FB6] =	sst s10  }
0x38: {  	s10 =	sld [smem:$0x3FB7]  }
0x39: {  	_ = 	snop;
	(pc) =	sbr.ind lr, $3  }
0x3a: {  	_ = 	snop  }
0x3b: {  	_ = 	snop  }
0x3c: {  	p2 =	seq.s32 s10, $0x1;
	s10 =	sld [smem:$0x3FB6]  }
0x3d: {  	_ =	shalt  }
0x3e: {  	_ =	shalt  }
0x3f: {  	_ =	shalt  }
0x40: {  	_ =	shalt  }
0x41: {  	_ =	shalt  }
0x42: {  	_ =	shalt  }
0x43: {  	_ =	shalt  }
0x44: {  	_ =	shalt  }
0x45: {  	_ =	shalt  }
0x46: {  	_ =	shalt  }
0x47: {  	_ =	shalt  }
0x48: {  	_ =	shalt  }
0x49: {  	_ =	shalt  }
0x4a: {  	_ =	shalt  }
0x4b: {  	_ =	shalt  }
0x4c: {  	_ =	shalt  }
0x4d: {  	_ =	shalt  }
0x4e: {  	_ =	shalt  }
0x4f: {  	_ =	shalt  }
0x50: {  	_ =	shalt  }
0x51: {  	_ =	shalt  }
0x52: {  	_ =	shalt  }
0x53: {  	_ =	shalt  }
0x54: {  	_ =	shalt  }
0x55: {  	_ =	shalt  }
0x56: {  	_ =	shalt  }
0x57: {  	_ =	shalt  }
0x58: {  	_ =	shalt  }
0x59: {  	_ =	shalt  }
0x5a: {  	_ =	shalt  }
0x5b: {  	_ =	shalt  }
0x5c: {  	_ =	shalt  }
0x5d: {  	_ =	shalt  }
0x5e: {  	_ =	shalt  }
0x5f: {  	_ =	shalt  }
0x60: {  	_ =	shalt  }
0x61: {  	_ =	shalt  }
0x62: {  	_ =	shalt  }
0x63: {  	_ =	shalt  }
0x64: {  	_ =	shalt  }
0x65: {  	_ =	shalt  }
0x66: {  	_ =	shalt  }
0x67: {  	_ =	shalt  }
0x68: {  	_ =	shalt  }
0x69: {  	_ =	shalt  }
0x6a: {  	_ =	shalt  }
0x6b: {  	_ =	shalt  }
0x6c: {  	_ =	shalt  }
0x6d: {  	_ =	shalt  }
0x6e: {  	_ =	shalt  }
0x6f: {  	_ =	shalt  }
0x70: {  	_ =	shalt  }
0x71: {  	_ =	shalt  }
0x72: {  	_ =	shalt  }
0x73: {  	_ =	shalt  }
0x74: {  	_ =	shalt  }
0x75: {  	_ =	shalt  }
0x76: {  	_ =	shalt  }
0x77: {  	_ =	shalt  }
0x78: {  	_ =	shalt  }
0x79: {  	_ =	shalt  }
0x7a: {  	_ =	shalt  }
0x7b: {  	_ =	shalt  }
0x7c: {  	_ =	shalt  }
0x7d: {  	_ =	shalt  }
0x7e: {  	_ =	shalt  }
0x7f: {  	_ =	shalt  }
0x80: {  	_ =	shalt  }
0x81: {  	_ =	shalt  }
0x82: {  	_ =	shalt  }
0x83: {  	_ =	shalt  }
0x84: {  	_ =	shalt  }
0x85: {  	_ =	shalt  }
0x86: {  	_ =	shalt  }
0x87: {  	_ =	shalt  }
.Lfunc_end0:
.L_simem_size_0:
called_computation.1_lowered:
.L_overlay_start_0:
0x88: {  	s2 =	sld [smem:$0x3FD9]  }
0x89: {  	s3 =	sld [smem:$0x3FFE];
	_ =	sdelay $0x1  }
0x8a: {  	s1 =	srdreg.scid  }
0x8b: {  	s0 =	sand.u32 $0x1, s1  }
0x8c: {  	s17 =	sshll.u32 s0, $0xA;
	s2 =	sadd.s32 s3, s2  }
0x8d: {  	s2 =	sadd.s32 s2, s17  }
0x8e: {  	[smem:$0x3FC2] =	sst s2  }
0x8f: {  	_ = 	snop  }
0x90: {  	s2 =	sld [smem:$0x3FC8];
	(tm) =	ssettm $0x1  }
0x91: {  	s18 =	sld [smem:$0x3FFB];
	_ =	sdelay $0x3  }
0x92: {  	_ =	strace s18  }
0x93: {  	s3 =	sld [smem:$0x3FFC];
	_ =	sdelay $0x3  }
0x94: {  	_ =	strace s3  }
0x95: {  	s3 =	sld [smem:$0x3FFD];
	_ =	sdelay $0x3  }
0x96: {  	_ =	strace s3  }
0x97: {  	_ =	strace $0x8FFFFFFF  }
0x98: {  	s19 =	sld [smem:$0x3FDB];
	_ =	sdelay $0x1  }
0x99: {  	s4 =	simm.s32 $_scs_section_size  }
0x9a: {  	s5 =	simm.s32 $_size__tile_overlayer_lowered;
	s6 =	simm.s32 $_tile_overlayer_lowered  }
0x9b: {  	s22 =	simm.s32 $0x1BFF;
	s21 =	sshll.u32 s6, $0x1;
	s3 =	sadd.s32 s4, s19  }
0x9c: {  	s7 =	simm.s32 $0x0;
	s20 =	sshll.u32 s5, $0x1;
	s5 =	sadd.s32 s21, s3  }
0x9d: {  	[timem:s7], [sflag:s22] =	dma.local [hbm:s5], s20  }
0x9e: {  	_ =	swait.ge [sflag:s22], s20  }
0x9f: {  	s4 =	ssub.s32 $0x0, s20;
	[sflag:s22] =	ssyncset.done $0x0  }
0xa0: {  	[sflag:s22] =	ssyncadd.s32 s4;
	_ =	sdelay $0x1  }
0xa1: {  	s23 =	simm.s32 $0x1B8B  }
0xa2: {  	_ =	swait.ge [sflag:s23], $0x1  }
0xa3: {  	[sflag:s23] =	ssyncset.done $0x0  }
0xa4: {  	s25 =	simm.s32 $0x1B8E;
	s24 =	sld [smem:$0x3FFE];
	[sflag:s23] =	ssyncadd.s32 $0xFFFFFFFF  }
0xa5: {  	s26 =	simm.s32 $execute0_lowered;
	[smem:$0x3FD2] =	sst s25  }
0xa6: {  	s5 =	sshll.u32 s26, $0x1;
	_ =	strace $0x80000049;
	[dreg:$0x1] =	wrdreg $0xFFFFFFFF  }
0xa7: {  	s28 =	simm.s32 $_size_execute0_lowered;
	s3 =	sadd.s32 s3, s5;
	[dreg:$0x0] =	wrdreg $0x0  }
0xa8: {  	s5 =	sshll.u32 s28, $0x1;
	[dreg:$0x2] =	wrdreg s3  }
0xa9: {  	[dreg:$0x3] =	wrdreg s5  }
0xaa: {  	[dreg:$0x4] =	wrdreg $0xC0  }
0xab: {  	_ =	task [dreg:s7], $0x5FFFF  }
0xac: {  	[dreg:$0x1] =	wrdreg $0xFFFFFFFF  }
0xad: {  	[dreg:$0x0] =	wrdreg $0x60  }
0xae: {  	[dreg:$0x2] =	wrdreg s24  }
0xaf: {  	[dreg:$0x3] =	wrdreg s2  }
0xb0: {  	[dreg:$0x4] =	wrdreg $0xC3000  }
0xb1: {  	[dreg:$0x5] =	wrdreg $0x9  }
0xb2: {  	_ =	task.clear_ibuf [dreg:s7], $0x6FFFF;
	_ =	strace $0x90000049  }
0xb3: {  	s29 =	simm.s32 $0x9;
	_ =	strace $0x8000004B  }
0xb4: {  	_ =	swait.ge [sflag:s29], $0x1  }
0xb5: {  	[sflag:s29] =	ssyncadd.s32 $0xFFFFFFFF  }
0xb6: {  	_ =	strace $0x9000004B  }
0xb7: {  	_ =	sfence  }
0xb8: {  	s30 =	sld [smem:$0x0];
	_ =	sdelay $0x2  }
0xb9: {  	s31 =	sshll.u32 s1, $0xD;
	s1 =	sshrl.u32 s1, $0x2  }
0xba: {  	s3 =	sand.u32 $0x4000, s31;
	s1 =	sadd.s32 s1, s30  }
0xbb: {  	s0 =	sor.u32 s3, s0;
	s1 =	sshll.u32 s1, $0x11  }
0xbc: {  	s0 =	sor.u32 s1, s0  }
0xbd: {  	s0 =	sadd.s32 $0x8F2B, s0  }
0xbe: {  	[sflag:s0] =	ssyncadd.remote.s32 $0x1  }
0xbf: {  	_ =	sfence.sel $0xFFFF  }
0xc0: {  	[dreg:$0x0] =	wrdreg $0xFFFFFFFF;
	(pc) =	sbr.abs _section_cstart, $3  }
0xc1: {  	[dreg:$0x1] =	wrdreg $0xFFFFFFFF  }
0xc2: {  	_ =	task.clear_ibuf [dreg:s7], $0x2FFFF;
	_ =	strace $0x9FFFFFFF  }
0xc3: {  	(tm) =	ssettm $0x7FFFFFFF  }
tec
execute0_lowered:
.L_overlay_start_1:
0x0: {  	(tag) =	ssettag $0x1  }
0x1: {  	s0 =	rddreg [dreg:$0x0]  }
0x2: {  	s1 =	rddreg [dreg:$0x1];
	s3 =	srdreg.scid  }
0x3: {  	s2 =	rddreg [dreg:$0x2];
	s11 =	stileid.u32  }
0x4: {  	s28 =	simm.s32 $0x4300;
	s29 =	simm.s32 $0x1;
	s30 =	simm.s32 $0xA  }
0x5: {  	s31 =	simm.s32 $0x280;
	s7 =	sand.u32 $0x1, s3;
	s6 =	smul.u32 $0x13C00, s11  }
0x6: {  	s3 =	simm.s32 $0x0;
	s4 =	sadd.s32 $0x1800, s0;
	s8 =	smul.u32 $0x4F000, s11  }
0x7: {  	s24 =	sshll.u32 s11, $0x5;
	s5 =	smul.u32 $0x13C000, s7;
	[smem:$0x7FF] =	sst s3  }
0x8: {  	s14 =	sshll.u32 s7, $0x4;
	s9 =	ssub.s32 $0x2, s7;
	s7 =	sshll.u32 s7, $0x9  }
0x9: {  	_ =	strace $0x8000004A;
	s10 =	sor.u32 s11, s14;
	s15 =	sshrl.u32 s8, $0x2  }
0xa: {  	s16 =	sshrl.u32 s9, $0x1;
	s11 =	simm.s32 $0x0;
	s5 =	sadd.s32 s6, s5  }
0xb: {  	p0 =	slt.u32 s10, $0x4;
	s12 =	sadd.s32 s15, s2;
	s8 =	ssub.s32 s9, s16  }
0xc: {  	s10 =	sshll.u32 s10, $0x5;
	s5 =	sshrl.u32 s5, $0x3;
	s6 =	sadd.s32 $0x4000, s12  }
0xd: {  	s18 =	sadd.s32 $0x8000, s12;
	s19 =	sadd.s32 $0xC000, s12;
	[dreg:$0x4] =	wrdreg s12  }
0xe: {  	s20 =	sadd.s32 $0x10000, s12;
	s21 =	sadd.s32 s1, s10;
	[dreg:$0x5] =	wrdreg s6  }
0xf: {  	s1 =	sadd.s32 s7, s1;
	s25 =	smax.u32 s8, $0x1;
	[dreg:$0x6] =	wrdreg s18  }
0x10: {  	s7 =	simm.s32 $0x2;
	s8 =	simm.s32 $0xB;
	[dreg:$0x7] =	wrdreg s19  }
0x11: {  	s0 =	sadd.s32 s5, s0;
	s5 =	simm.s32 $0x4F;
	[dreg:$0x8] =	wrdreg s20  }
0x12: {  	s10 =	sadd.s32 $0x400, s21;
	s22 =	sadd.s32 $0x800, s21;
	s23 =	sadd.s32 $0x10, s21  }
0x13: {  	[dreg:$0x9] =	wrdreg s21;
	s6 =	sadd.s32 $0x410, s21;
	s5 =	simm.s32 @!p0 $0x4E  }
0x14: {  	[dreg:$0xf] =	wrdreg s25;
	s18 =	sadd.s32 s24, s1;
	s17 =	smul.u32 $0x56, s5  }
0x15: {  	s19 =	simm.s32 $0x300;
	s20 =	simm.s32 $0xD;
	[dreg:$0xa] =	wrdreg s10  }
0x16: {  	s21 =	simm.s32 $0x80;
	[dreg:$0xb] =	wrdreg s22;
	s9 =	sshrl.u32 s17, $0x8  }
0x17: {  	s24 =	simm.s32 $0x200;
	[dreg:$0xc] =	wrdreg s23;
	s9 =	smul.u32 $0x3, s9  }
0x18: {  	s1 =	simm.s32 $0x8300;
	[dreg:$0xd] =	wrdreg s6;
	s0 =	sadd.s32 $0x28A00, s0  }
0x19: {  	s22 =	simm.s32 $0x100;
	s23 =	simm.s32 $0x180;
	s9 =	ssub.s32 s5, s9  }
0x1a: {  	s10 =	simm.s32 $0xC;
	[dreg:$0xe] =	wrdreg s0;
	s26 =	sand.u32 $0xFF, s9  }
0x1b: {  	v0 =	vimm.f32 $0.0e+00;
	s0 =	simm.s32 $0x9;
	s9 =	simm.s32 $0x3;
	p0 =	sne.s32 s26, $0x1  }
.LBB2_1:
0x1c: {  	[dreg:$0x10] =	wrdreg s11;
	s11 =	simm.s32 $0x0;
	s16 =	simm.s32 $0x200  }
.LBB2_2:
0x1d: {  	p1 =	sne.s32 s16, $0xFE00;
	[tilespmem:s11+$0x370] =	vst v0  }
0x1e: {  	[tilespmem:s11+$0x300] =	vst v0  }
0x1f: {  	[tilespmem:s11+$0x310] =	vst v0  }
.Ltmp0:
0x20: {  	[tilespmem:s11+$0x320] =	vst v0;
	(pc) =	sbr.rel @p1 .LBB2_2-.Ltmp0, $4  }
0x21: {  	[tilespmem:s11+$0x330] =	vst v0  }
0x22: {  	[tilespmem:s11+$0x340] =	vst v0  }
0x23: {  	[tilespmem:s11+$0x350] =	vst v0  }
0x24: {  	[tilespmem:s11+$0x360] =	vst v0;
	s11 =	sshra.s32 s16, $0x2;
	s16 =	sadd.s32 $0x200, s16  }
0x25: {  	[tilespmem:s11+$0x370] =	vst v0  }
0x26: {  	[tilespmem:s11+$0x300] =	vst v0  }
0x27: {  	[tilespmem:s11+$0x310] =	vst v0  }
0x28: {  	[tilespmem:s11+$0x320] =	vst v0  }
0x29: {  	[tilespmem:s11+$0x330] =	vst v0  }
0x2a: {  	[tilespmem:s11+$0x340] =	vst v0  }
0x2b: {  	[tilespmem:s11+$0x350] =	vst v0  }
0x2c: {  	[tilespmem:s11+$0x360] =	vst v0  }
0x2d: {  	[spmem:s12] =	stream.linear.scatter [tilespmem:s19], [sflag:$0xD], $0x4000, $0x38;
	[tilespmem:$0x1FF00] =	vst v63  }
0x2e: {  	_ =	swait.ge [sflag:s20], $0x4000  }
0x2f: {  	[sflag:s20] =	ssyncset.done $0x0  }
0x30: {  	s6 =	rddreg [dreg:$0x5];
	[sflag:s20] =	ssyncadd.s32 $0xFFFFC000  }
0x31: {  	[spmem:s6] =	stream.linear.scatter [tilespmem:s19], [sflag:$0xD], $0x4000, $0x38;
	[tilespmem:$0x1FF00] =	vst v63  }
0x32: {  	_ =	swait.ge [sflag:s20], $0x4000  }
0x33: {  	[sflag:s20] =	ssyncset.done $0x0  }
0x34: {  	s16 =	rddreg [dreg:$0x6];
	[sflag:s20] =	ssyncadd.s32 $0xFFFFC000  }
0x35: {  	[spmem:s16] =	stream.linear.scatter [tilespmem:s19], [sflag:$0xD], $0x4000, $0x38;
	[tilespmem:$0x1FF00] =	vst v63  }
0x36: {  	_ =	swait.ge [sflag:s20], $0x4000  }
0x37: {  	[sflag:s20] =	ssyncset.done $0x0  }
0x38: {  	s17 =	rddreg [dreg:$0x7];
	[sflag:s20] =	ssyncadd.s32 $0xFFFFC000  }
0x39: {  	[spmem:s17] =	stream.linear.scatter [tilespmem:s19], [sflag:$0xD], $0x4000, $0x38;
	[tilespmem:$0x1FF00] =	vst v63  }
0x3a: {  	_ =	swait.ge [sflag:s20], $0x4000  }
0x3b: {  	[sflag:s20] =	ssyncset.done $0x0  }
0x3c: {  	s25 =	rddreg [dreg:$0x8];
	[sflag:s20] =	ssyncadd.s32 $0xFFFFC000  }
0x3d: {  	[spmem:s25] =	stream.linear.scatter [tilespmem:s19], [sflag:$0xD], $0x3C00, $0x38;
	[tilespmem:$0x1FF00] =	vst v63  }
0x3e: {  	_ =	swait.ge [sflag:s20], $0x3C00  }
0x3f: {  	[sflag:s20] =	ssyncset.done $0x0  }
0x40: {  	s26 =	simm.s32 $0x0;
	s12 =	rddreg [dreg:$0x9];
	[sflag:s20] =	ssyncadd.s32 $0xFFFFC400  }
0x41: {  	[tilespmem:s26], [sflag:$0x7] =	stream.linear.gather [hbm4b:s12+s26], $0x80, $0x38;
	[tilespmem:$0x1FF00] =	vst v63  }
0x42: {  	s13 =	rddreg [dreg:$0xa]  }
0x43: {  	[tilespmem:s21], [sflag:$0x8] =	stream.linear.gather [hbm4b:s13+s26], $0x80, $0x38;
	[tilespmem:$0x1FF00] =	vst v63  }
0x44: {  	s14 =	rddreg [dreg:$0xb]  }
0x45: {  	[tilespmem:s22], [sflag:$0x9] =	stream.linear.gather [hbm4b:s14+s26], $0x80, $0x38;
	[tilespmem:$0x1FF00] =	vst v63  }
0x46: {  	s15 =	rddreg [dreg:$0xc]  }
0x47: {  	[tilespmem:s23], [sflag:$0xA] =	stream.linear.gather [hbm4b:s15+s26], $0x80, $0x38;
	[tilespmem:$0x1FF00] =	vst v63  }
0x48: {  	s17 =	simm.s32 $0x7;
	s16 =	rddreg [dreg:$0xd]  }
0x49: {  	[tilespmem:s24], [sflag:$0xB] =	stream.linear.gather [hbm4b:s16+s26], $0x80, $0x38;
	[tilespmem:$0x1FF00] =	vst v63  }
0x4a: {  	_ =	swait.ge [sflag:s17], $0x80  }
0x4b: {  	[sflag:s17] =	ssyncset.done $0x0  }
0x4c: {  	s25 =	simm.s32 $0x8;
	[sflag:s17] =	ssyncadd.s32 $0xFFFFFF80  }
0x4d: {  	[tilespmem:s19], [sflag:$0x1] =	stream.indirect.gather [hbm4b:s4+s21], $0x80, s26, s21, $0xb8;
	[tilespmem:$0x1FF00] =	vst v63  }
0x4e: {  	_ =	swait.ge [sflag:s25], $0x80  }
0x4f: {  	[sflag:s25] =	ssyncset.done $0x0  }
0x50: {  	[sflag:s25] =	ssyncadd.s32 $0xFFFFFF80  }
0x51: {  	[tilespmem:s28], [sflag:$0x2] =	stream.indirect.gather [hbm4b:s4+s21], $0x80, s21, s21, $0xb8;
	[tilespmem:$0x1FF00] =	vst v63  }
0x52: {  	[bflag:$0x0] =	sbarrier.arrive $0xFFFF  }
0x53: {  	_ =	swait.ge [sflag:s29], $0x4000  }
0x54: {  	[sflag:s29] =	ssyncset.done $0x0  }
0x55: {  	[sflag:s29] =	ssyncadd.s32 $0xFFFFC000  }
0x56: {  	_ =	swait.ge [sflag:s30], $0x80  }
0x57: {  	p2 =	sle.u32 s5, $0x3;
	[sflag:s30] =	ssyncset.done $0x0  }
0x58: {  	p1 =	por $0x1, $0x1;
	s16 =	sadd.s32 @!p2 $0x0, s18;
	[sflag:s30] =	ssyncadd.s32 $0xFFFFFF80  }
0x59: {  	[spmem:s2] =	stream.indirect.scatter.add.f32 [tilespmem:s19], [sflag:$0x4], $0x80, s23, s21, $0xb8;
	[tilespmem:$0x1FF00] =	vst v63  }
0x5a: {  	s11 =	sadd.s32 @!p2 $0xC00, s16;
	s17 =	simm.s32 @!p2 $0x0;
	s25 =	simm.s32 @!p1 $0x6  }
0x5b: {  	[tilespmem:s17], [sflag:$0x7] =	stream.linear.gather @!p2 [hbm4b:s11+s17], $0x80, $0x38;
	[tilespmem:$0x1FF00] =	vst v63  }
0x5c: {  	_ =	swait.ge @!p1 [sflag:s25], $0x4000  }
0x5d: {  	s26 =	sadd.s32 $0x0, s18;
	[sflag:s25] =	ssyncset.done @!p1 $0x0  }
0x5e: {  	s11 =	sadd.s32 $0x810, s26;
	[sflag:s25] =	ssyncadd.s32 @!p1 $0xFFFFC000  }
0x5f: {  	[tilespmem:s31], [sflag:$0xC] =	stream.linear.gather [hbm4b:s11+s3], $0x80, $0x38;
	[tilespmem:$0x1FF00] =	vst v63  }
0x60: {  	_ =	swait.ge [sflag:s0], $0x80  }
0x61: {  	[sflag:s0] =	ssyncset.done $0x0  }
0x62: {  	[sflag:s0] =	ssyncadd.s32 $0xFFFFFF80  }
0x63: {  	[tilespmem:s1], [sflag:$0x3] =	stream.indirect.gather [hbm4b:s4+s21], $0x80, s22, s21, $0xb8;
	[tilespmem:$0x1FF00] =	vst v63  }
0x64: {  	_ =	swait.ge [sflag:s7], $0x4000  }
0x65: {  	[sflag:s7] =	ssyncset.done $0x0  }
0x66: {  	[sflag:s7] =	ssyncadd.s32 $0xFFFFC000  }
0x67: {  	_ =	swait.ge [sflag:s8], $0x80  }
0x68: {  	p1 =	sle.u32 s5, $0x4;
	[sflag:s8] =	ssyncset.done $0x0  }
0x69: {  	s25 =	sadd.s32 @!p1 $0x0, s18;
	[sflag:s8] =	ssyncadd.s32 $0xFFFFFF80  }
0x6a: {  	[spmem:s2] =	stream.indirect.scatter.add.f32 [tilespmem:s28], [sflag:$0x5], $0x80, s24, s21, $0xb8;
	[tilespmem:$0x1FF00] =	vst v63  }
0x6b: {  	s11 =	simm.s32 @!p1 $0x80;
	s12 =	simm.s32 @!p1 $0x0;
	s26 =	sadd.s32 @!p1 $0x1000, s25  }
0x6c: {  	[tilespmem:s11], [sflag:$0x8] =	stream.linear.gather @!p1 [hbm4b:s26+s12], $0x80, $0x38;
	[tilespmem:$0x1FF00] =	vst v63  }
0x6d: {  	s26 =	simm.s32 @!p2 $0x4  }
0x6e: {  	_ =	swait.ge @!p2 [sflag:s26], $0x4000  }
0x6f: {  	[sflag:s26] =	ssyncset.done @!p2 $0x0  }
0x70: {  	s16 =	sadd.s32 @!p2 $0xC10, s16;
	[sflag:s26] =	ssyncadd.s32 @!p2 $0xFFFFC000;
	s26 =	simm.s32 @!p2 $0x180  }
0x71: {  	[tilespmem:s26], [sflag:$0xA] =	stream.linear.gather @!p2 [hbm4b:s16+s17], $0x80, $0x38;
	[tilespmem:$0x1FF00] =	vst v63  }
0x72: {  	s16 =	simm.s32 @!p2 $0x7  }
0x73: {  	_ =	swait.ge @!p2 [sflag:s16], $0x80  }
0x74: {  	[sflag:s16] =	ssyncset.done @!p2 $0x0  }
0x75: {  	s26 =	simm.s32 @!p2 $0x80;
	[sflag:s16] =	ssyncadd.s32 @!p2 $0xFFFFFF80;
	s16 =	simm.s32 @!p2 $0x300  }
0x76: {  	[tilespmem:s16], [sflag:$0x1] =	stream.indirect.gather @!p2 [hbm4b:s4+s26], $0x80, s17, s26, $0xb8;
	[tilespmem:$0x1FF00] =	vst v63  }
0x77: {  	_ =	swait.ge [sflag:s9], $0x4000  }
0x78: {  	[sflag:s9] =	ssyncset.done $0x0  }
0x79: {  	[sflag:s9] =	ssyncadd.s32 $0xFFFFC000  }
0x7a: {  	_ =	swait.ge [sflag:s10], $0x80  }
0x7b: {  	p2 =	sle.u32 s5, $0x5;
	[sflag:s10] =	ssyncset.done $0x0  }
0x7c: {  	s16 =	sadd.s32 @!p2 $0x0, s18;
	[sflag:s10] =	ssyncadd.s32 $0xFFFFFF80  }
0x7d: {  	[spmem:s2] =	stream.indirect.scatter.add.f32 [tilespmem:s1], [sflag:$0x6], $0x80, s31, s21, $0xb8;
	[tilespmem:$0x1FF00] =	vst v63  }
0x7e: {  	s17 =	simm.s32 @!p2 $0x100;
	s26 =	simm.s32 @!p2 $0x0;
	s16 =	sadd.s32 @!p2 $0x1400, s16  }
0x7f: {  	[tilespmem:s17], [sflag:$0x9] =	stream.linear.gather @!p2 [hbm4b:s16+s26], $0x80, $0x38;
	[tilespmem:$0x1FF00] =	vst v63  }
0x80: {  	s16 =	simm.s32 @!p1 $0x5  }
0x81: {  	_ =	swait.ge @!p1 [sflag:s16], $0x4000  }
0x82: {  	s17 =	sadd.s32 @!p1 $0x1010, s25;
	[sflag:s16] =	ssyncset.done @!p1 $0x0  }
0x83: {  	s26 =	simm.s32 @!p1 $0x200;
	s25 =	simm.s32 @!p1 $0x8;
	[sflag:s16] =	ssyncadd.s32 @!p1 $0xFFFFC000  }
0x84: {  	[tilespmem:s26], [sflag:$0xB] =	stream.linear.gather @!p1 [hbm4b:s17+s12], $0x80, $0x38;
	[tilespmem:$0x1FF00] =	vst v63  }
0x85: {  	s16 =	simm.s32 $0x5;
	_ =	swait.ge @!p1 [sflag:s25], $0x80  }
0x86: {  	s17 =	simm.s32 $0xC00;
	s26 =	simm.s32 @!p1 $0x4300;
	[sflag:s25] =	ssyncset.done @!p1 $0x0  }
.LBB2_4:
0x87: {  	[sflag:s25] =	ssyncadd.s32 @!p1 $0xFFFFFF80  }
0x88: {  	s16 =	sadd.s32 $0x3, s16;
	s25 =	smov.u32 s17;
	s17 =	sadd.s32 $0xC00, s17  }
0x89: {  	[tilespmem:s26], [sflag:$0x2] =	stream.indirect.gather @!p1 [hbm4b:s4+s11], $0x80, s11, s11, $0xb8;
	[tilespmem:$0x1FF00] =	vst v63  }
0x8a: {  	p2 =	sne.s32 s17, $0x13800;
	_ =	swait.ge [sflag:s29], $0x4000  }
0x8b: {  	[sflag:s29] =	ssyncset.done $0x0  }
0x8c: {  	[sflag:s29] =	ssyncadd.s32 $0xFFFFC000  }
0x8d: {  	s11 =	sadd.s32 $0xFFFFFFFE, s16;
	_ =	swait.ge [sflag:s30], $0x80  }
0x8e: {  	p1 =	seq.s32 s25, $0x0;
	p3 =	sge.u32 s11, s5;
	[sflag:s30] =	ssyncset.done $0x0  }
0x8f: {  	s11 =	sadd.s32 @!p3 s25, s18;
	s26 =	simm.s32 @!p3 $0x0;
	[sflag:s30] =	ssyncadd.s32 $0xFFFFFF80  }
0x90: {  	[spmem:s2] =	stream.indirect.scatter.add.f32 [tilespmem:s19], [sflag:$0x4], $0x80, s23, s21, $0xb8;
	[tilespmem:$0x1FF00] =	vst v63  }
0x91: {  	s13 =	simm.s32 @!p1 $0x6;
	s12 =	sadd.s32 @!p3 $0xC00, s11;
	s14 =	sadd.s32 @!p3 $0xC10, s11  }
0x92: {  	[tilespmem:s26], [sflag:$0x7] =	stream.linear.gather @!p3 [hbm4b:s12+s26], $0x80, $0x38;
	[tilespmem:$0x1FF00] =	vst v63  }
0x93: {  	s11 =	sadd.s32 s25, s18;
	_ =	swait.ge @!p1 [sflag:s13], $0x4000  }
0x94: {  	s11 =	sadd.s32 $0x810, s11;
	[sflag:s13] =	ssyncset.done @!p1 $0x0  }
0x95: {  	[sflag:s13] =	ssyncadd.s32 @!p1 $0xFFFFC000  }
0x96: {  	[tilespmem:s31], [sflag:$0xC] =	stream.linear.gather [hbm4b:s11+s3], $0x80, $0x38;
	[tilespmem:$0x1FF00] =	vst v63  }
0x97: {  	_ =	swait.ge [sflag:s0], $0x80  }
0x98: {  	[sflag:s0] =	ssyncset.done $0x0  }
0x99: {  	[sflag:s0] =	ssyncadd.s32 $0xFFFFFF80  }
0x9a: {  	[tilespmem:s1], [sflag:$0x3] =	stream.indirect.gather [hbm4b:s4+s21], $0x80, s22, s21, $0xb8;
	[tilespmem:$0x1FF00] =	vst v63  }
0x9b: {  	_ =	swait.ge [sflag:s7], $0x4000  }
0x9c: {  	[sflag:s7] =	ssyncset.done $0x0  }
0x9d: {  	[sflag:s7] =	ssyncadd.s32 $0xFFFFC000  }
0x9e: {  	s11 =	sadd.s32 $0xFFFFFFFF, s16;
	_ =	swait.ge [sflag:s8], $0x80  }
0x9f: {  	p1 =	sge.u32 s11, s5;
	[sflag:s8] =	ssyncset.done $0x0  }
0xa0: {  	s12 =	sadd.s32 @!p1 s25, s18;
	s11 =	simm.s32 @!p1 $0x80;
	[sflag:s8] =	ssyncadd.s32 $0xFFFFFF80  }
0xa1: {  	[spmem:s2] =	stream.indirect.scatter.add.f32 [tilespmem:s28], [sflag:$0x5], $0x80, s24, s21, $0xb8;
	[tilespmem:$0x1FF00] =	vst v63  }
0xa2: {  	s15 =	simm.s32 @!p3 $0x4;
	s6 =	simm.s32 @!p1 $0x0;
	s13 =	sadd.s32 @!p1 $0x1000, s12  }
0xa3: {  	[tilespmem:s11], [sflag:$0x8] =	stream.linear.gather @!p1 [hbm4b:s13+s6], $0x80, $0x38;
	[tilespmem:$0x1FF00] =	vst v63  }
0xa4: {  	s12 =	sadd.s32 @!p1 $0x1010, s12;
	_ =	swait.ge @!p3 [sflag:s15], $0x4000  }
0xa5: {  	s13 =	simm.s32 @!p3 $0x180;
	[sflag:s15] =	ssyncset.done @!p3 $0x0  }
0xa6: {  	[sflag:s15] =	ssyncadd.s32 @!p3 $0xFFFFC000;
	s15 =	simm.s32 @!p3 $0x7  }
0xa7: {  	[tilespmem:s13], [sflag:$0xA] =	stream.linear.gather @!p3 [hbm4b:s14+s26], $0x80, $0x38;
	[tilespmem:$0x1FF00] =	vst v63  }
0xa8: {  	_ =	swait.ge @!p3 [sflag:s15], $0x80  }
0xa9: {  	s13 =	simm.s32 @!p3 $0x80;
	s14 =	simm.s32 @!p3 $0x300;
	[sflag:s15] =	ssyncset.done @!p3 $0x0  }
0xaa: {  	[sflag:s15] =	ssyncadd.s32 @!p3 $0xFFFFFF80  }
0xab: {  	[tilespmem:s14], [sflag:$0x1] =	stream.indirect.gather @!p3 [hbm4b:s4+s13], $0x80, s26, s13, $0xb8;
	[tilespmem:$0x1FF00] =	vst v63  }
0xac: {  	_ =	swait.ge [sflag:s9], $0x4000  }
0xad: {  	[sflag:s9] =	ssyncset.done $0x0  }
0xae: {  	[sflag:s9] =	ssyncadd.s32 $0xFFFFC000  }
0xaf: {  	_ =	swait.ge [sflag:s10], $0x80  }
0xb0: {  	p3 =	sge.u32 s16, s5;
	[sflag:s10] =	ssyncset.done $0x0  }
0xb1: {  	s13 =	sadd.s32 @!p3 s25, s18;
	s14 =	simm.s32 @!p3 $0x100;
	[sflag:s10] =	ssyncadd.s32 $0xFFFFFF80  }
0xb2: {  	[spmem:s2] =	stream.indirect.scatter.add.f32 [tilespmem:s1], [sflag:$0x6], $0x80, s31, s21, $0xb8;
	[tilespmem:$0x1FF00] =	vst v63  }
0xb3: {  	s15 =	simm.s32 @!p3 $0x0;
	s25 =	simm.s32 @!p1 $0x5;
	s13 =	sadd.s32 @!p3 $0x1400, s13  }
0xb4: {  	[tilespmem:s14], [sflag:$0x9] =	stream.linear.gather @!p3 [hbm4b:s13+s15], $0x80, $0x38;
	[tilespmem:$0x1FF00] =	vst v63  }
0xb5: {  	_ =	swait.ge @!p1 [sflag:s25], $0x4000  }
.Ltmp1:
0xb6: {  	s13 =	simm.s32 @!p1 $0x200;
	[sflag:s25] =	ssyncset.done @!p1 $0x0;
	(pc) =	sbr.rel @p2 .LBB2_4-.Ltmp1, $4  }
0xb7: {  	[sflag:s25] =	ssyncadd.s32 @!p1 $0xFFFFC000;
	s25 =	simm.s32 @!p1 $0x8  }
0xb8: {  	[tilespmem:s13], [sflag:$0xB] =	stream.linear.gather @!p1 [hbm4b:s12+s6], $0x80, $0x38;
	[tilespmem:$0x1FF00] =	vst v63  }
0xb9: {  	_ =	swait.ge @!p1 [sflag:s25], $0x80  }
0xba: {  	s26 =	simm.s32 @!p1 $0x4300;
	[sflag:s25] =	ssyncset.done @!p1 $0x0  }
0xbb: {  	[sflag:s25] =	ssyncadd.s32 @!p1 $0xFFFFFF80;
	s6 =	simm.s32 @!p0 $0x1  }
0xbc: {  	[tilespmem:s26], [sflag:$0x2] =	stream.indirect.gather @!p1 [hbm4b:s4+s11], $0x80, s11, s11, $0xb8;
	[tilespmem:$0x1FF00] =	vst v63  }
0xbd: {  	_ =	swait.ge @!p0 [sflag:s6], $0x4000  }
0xbe: {  	[sflag:s6] =	ssyncset.done @!p0 $0x0  }
0xbf: {  	[sflag:s6] =	ssyncadd.s32 @!p0 $0xFFFFC000;
	s6 =	simm.s32 @!p0 $0xA  }
0xc0: {  	_ =	swait.ge @!p0 [sflag:s6], $0x80  }
0xc1: {  	s12 =	simm.s32 @!p0 $0x300;
	s13 =	simm.s32 $0x4;
	[sflag:s6] =	ssyncset.done @!p0 $0x0  }
0xc2: {  	s11 =	simm.s32 @!p0 $0x180;
	[sflag:s6] =	ssyncadd.s32 @!p0 $0xFFFFFF80;
	s6 =	simm.s32 @!p0 $0x80  }
0xc3: {  	[spmem:s2] =	stream.indirect.scatter.add.f32 @!p0 [tilespmem:s12], [sflag:$0x4], $0x80, s11, s6, $0xb8;
	[tilespmem:$0x1FF00] =	vst v63  }
0xc4: {  	_ =	swait.ge [sflag:s13], $0x4000  }
0xc5: {  	[sflag:s13] =	ssyncset.done $0x0  }
0xc6: {  	s14 =	simm.s32 $0x5;
	[sflag:s13] =	ssyncadd.s32 $0xFFFFC000  }
0xc7: {  	_ =	swait.ge [sflag:s14], $0x4000  }
0xc8: {  	[sflag:s14] =	ssyncset.done $0x0  }
0xc9: {  	s15 =	simm.s32 $0x6;
	[sflag:s14] =	ssyncadd.s32 $0xFFFFC000  }
0xca: {  	_ =	swait.ge [sflag:s15], $0x4000  }
0xcb: {  	[sflag:s15] =	ssyncset.done $0x0  }
0xcc: {  	[sflag:s15] =	ssyncadd.s32 $0xFFFFC000  }
0xcd: {  	s16 =	stileid.u32;
	[bflag:$0x0] =	sbarrier.arrive $0xFFFF  }
0xce: {  	s6 =	sshll.u32 s16, $0x6;
	s12 =	rddreg [dreg:$0x4]  }
0xcf: {  	s6 =	sor.u32 $0x1C0D, s6;
	s13 =	rddreg [dreg:$0xe];
	s17 =	sshrl.u32 s12, $0x3  }
0xd0: {  	[hbm:s13], [sflag:s6] =	dma.local [spmem:s17], $0x2780  }
0xd1: {  	_ =	swait.ge [sflag:s20], $0x2780  }
0xd2: {  	s25 =	rddreg [dreg:$0x10]  }
0xd3: {  	s26 =	rddreg [dreg:$0xf];
	s11 =	sadd.s32 $0x1, s25  }
0xd4: {  	p1 =	sne.s32 s11, s26  }
.Ltmp2:
0xd5: {  	_ = 	snop;
	(pc) =	sbr.rel @p1 .LBB2_1-.Ltmp2, $3  }
0xd6: {  	_ =	sdelay $0x1  }
0xd7: {  	[sflag:s20] =	ssyncset.done $0x0  }
0xd8: {  	[sflag:s20] =	ssyncadd.s32 $0xFFFFD880  }
0xd9: {  	_ =	sfence.sel $0x180000  }
0xda: {  	[bflag:$0x0] =	sbarrier.arrive $0xFFFF  }
0xdb: {  	_ =	strace $0x9000004A  }
0xdc: {  	s0 =	stileid.u32;
	[bflag:$0x2] =	sbarrier.arrive $0xFFFF  }
0xdd: {  	p0 =	sne.s32 s0, $0x0;
	s0 =	rddreg [dreg:$0x3]  }
0xde: {  	s0 =	sadd.s32 @!p0 $0x100000, s0  }
0xdf: {  	[sflag:s0] =	ssyncadd.tile.s32 @!p0 $0x1;
	_ =	shalt  }
.Lfunc_end2:
_tile_overlayer_lowered:
.L_overlay_start_2:
0xe0: {  	(tag) =	ssettag $0x2  }
0xe1: {  	s0 =	rddreg [dreg:$0x0];
	s2 =	stileid.u32  }
0xe2: {  	s1 =	rddreg [dreg:$0x1];
	p0 =	sne.s32 s2, $0x0  }
0xe3: {  	s3 =	rddreg [dreg:$0x2];
	[bflag:$0x3] =	sbarrier.arrive $0xFFFF;
	s2 =	simm.s32 @!p0 $0x1C0D  }
0xe4: {  	[timem:s3], [sflag:s2] =	dma.local @!p0 [hbm:s0], s1  }
0xe5: {  	s0 =	simm.s32 @!p0 $0xD  }
0xe6: {  	_ =	swait.ge @!p0 [sflag:s0], s1  }
0xe7: {  	s1 =	ssub.s32 @!p0 $0x0, s1;
	[sflag:s0] =	ssyncset.done @!p0 $0x0  }
0xe8: {  	[sflag:s0] =	ssyncadd.s32 @!p0 s1  }
0xe9: {  	[bflag:$0x3] =	sbarrier.arrive $0xFFFF  }
0xea: {  	_ =	shalt  }

</sc_bundles>
